<compile_context>
chip_gen: v7x
topology: tpu7x:2x2x1
jax: 0.10.2.dev20260603
libtpu: 0.0.44.dev20260713+nightly
codegen_flags: <defaults>
</compile_context>

<pallas_src>
import functools

import jax
import jax.numpy as jnp
from jax import lax
from jax.experimental import pallas as pl
from jax.experimental.pallas import tpu as pltpu
from jax.experimental.pallas import tpu_sc as plsc

D_MODEL = 1024
INTER = 512
NUM_E = 8
N_TOK = 4096
BLK_T = 256
N_BLK = 40
XG_ROWS = N_BLK * BLK_T
SC_WORKERS = 32
CHUNK = 64


def _nt(a, b):
    return jax.lax.dot_general(
        a, b, (((1,), (1,)), ((), ())), preferred_element_type=jnp.float32
    )


def _cumsum0(x):
    n, l = x.shape
    s = 1
    while s < n:
        shifted = jnp.concatenate(
            [jnp.zeros((s, l), x.dtype), x[: n - s, :]], axis=0)
        x = x + shifted
        s *= 2
    return x


def _route_body(x_ref, rw_ref, rb_ref, p_ref, eid_ref):
    xb = x_ref[...].astype(jnp.bfloat16)

    logits = _nt(xb, rw_ref[...].astype(jnp.bfloat16)) + rb_ref[...]
    iota = lax.broadcasted_iota(jnp.int32, logits.shape, 1)
    m0 = jnp.max(logits, axis=1, keepdims=True)
    i0 = jnp.min(jnp.where(logits == m0, iota, NUM_E), axis=1, keepdims=True)
    oh0 = iota == i0
    masked = jnp.where(oh0, -jnp.inf, logits)
    m1 = jnp.max(masked, axis=1, keepdims=True)
    i1 = jnp.min(jnp.where(masked == m1, iota, NUM_E), axis=1, keepdims=True)
    oh1 = iota == i1
    t = jnp.exp(m1 - m0)
    w0 = 1.0 / (1.0 + t)
    w1 = t / (1.0 + t)

    mask = (oh0 | oh1).astype(jnp.float32)
    cum = _cumsum0(mask)
    rank_excl = cum - mask
    counts = cum[N_TOK - 1:N_TOK, :]
    padded = jnp.floor((counts + (BLK_T - 1)) * (1.0 / BLK_T)) * BLK_T
    r8 = lax.broadcasted_iota(jnp.int32, (NUM_E, NUM_E), 0)
    c8 = lax.broadcasted_iota(jnp.int32, (NUM_E, NUM_E), 1)
    tri = (r8 < c8).astype(jnp.float32)
    base = jax.lax.dot_general(padded, tri, (((1,), (0,)), ((), ())),
                               preferred_element_type=jnp.float32)

    base0 = jnp.sum(jnp.where(oh0, base, 0.0), axis=1, keepdims=True)
    base1 = jnp.sum(jnp.where(oh1, base, 0.0), axis=1, keepdims=True)
    r0 = jnp.sum(jnp.where(oh0, rank_excl, 0.0), axis=1, keepdims=True)
    r1 = jnp.sum(jnp.where(oh1, rank_excl, 0.0), axis=1, keepdims=True)
    p0 = base0 + r0
    p1 = base1 + r1
    lane = lax.broadcasted_iota(jnp.int32, (N_TOK, NUM_E), 1)
    p_ref[...] = (jnp.where(lane == 0, p0, 0.0) + jnp.where(lane == 1, p1, 0.0)
                  + jnp.where(lane == 2, w0, 0.0) + jnp.where(lane == 3, w1, 0.0))

    eye = (r8 == c8).astype(jnp.float32)
    start_col = _nt(eye, base * (1.0 / BLK_T))
    i64 = lax.broadcasted_iota(jnp.int32, (NUM_E, 64), 1).astype(jnp.float32)
    eid = jnp.sum((start_col <= i64).astype(jnp.float32), axis=0,
                  keepdims=True) - 1.0
    eid_ref[...] = eid.astype(jnp.int32)


def _route(flat, router_w, rb):
    return pl.pallas_call(
        _route_body,
        grid=(1,),
        in_specs=[
            pl.BlockSpec((N_TOK, D_MODEL), lambda i: (0, 0)),
            pl.BlockSpec((NUM_E, D_MODEL), lambda i: (0, 0)),
            pl.BlockSpec((1, NUM_E), lambda i: (0, 0)),
        ],
        out_specs=[
            pl.BlockSpec((N_TOK, NUM_E), lambda i: (0, 0)),
            pl.BlockSpec((1, 64), lambda i: (0, 0)),
        ],
        out_shape=[
            jax.ShapeDtypeStruct((N_TOK, NUM_E), jnp.float32),
            jax.ShapeDtypeStruct((1, 64), jnp.int32),
        ],
    )(flat, router_w, rb)


def _shared_body(x_ref, sg_ref, su_ref, sd_ref, sh_ref):
    xc = x_ref[...].astype(jnp.bfloat16)
    g = _nt(xc, sg_ref[...].astype(jnp.bfloat16))
    u = _nt(xc, su_ref[...].astype(jnp.bfloat16))
    h = ((g * jax.nn.sigmoid(g)) * u).astype(jnp.bfloat16)
    sh_ref[...] = _nt(h, sd_ref[...].astype(jnp.bfloat16)).astype(jnp.bfloat16)


def _shared(flat, sg, su, sd):
    tb = 1024
    return pl.pallas_call(
        _shared_body,
        grid=(N_TOK // tb,),
        in_specs=[
            pl.BlockSpec((tb, D_MODEL), lambda i: (i, 0)),
            pl.BlockSpec((INTER, D_MODEL), lambda i: (0, 0)),
            pl.BlockSpec((INTER, D_MODEL), lambda i: (0, 0)),
            pl.BlockSpec((D_MODEL, INTER), lambda i: (0, 0)),
        ],
        out_specs=pl.BlockSpec((tb, D_MODEL), lambda i: (i, 0)),
        out_shape=jax.ShapeDtypeStruct((N_TOK, D_MODEL), jnp.bfloat16),
    )(flat, sg, su, sd)


def _sc_scatter_body(x_hbm, p01_hbm, xg_hbm, idx_v, rows_v, sem):
    wid = lax.axis_index("s") * 2 + lax.axis_index("c")
    for j in range(4):
        abase = wid * 256 + j * CHUNK
        tbase = lax.rem(abase, N_TOK)
        pltpu.sync_copy(p01_hbm.at[pl.ds(abase, CHUNK)], idx_v)
        pltpu.sync_copy(x_hbm.at[pl.ds(tbase, CHUNK)], rows_v)
        pltpu.async_copy(rows_v, xg_hbm.at[idx_v], sem).wait()


def _sc_scatter(flat, p01):
    mesh = plsc.VectorSubcoreMesh(core_axis_name="c", subcore_axis_name="s")
    fn = functools.partial(
        pl.kernel,
        out_type=jax.ShapeDtypeStruct((XG_ROWS, D_MODEL), jnp.float32),
        mesh=mesh,
        scratch_types=[
            pltpu.VMEM((CHUNK,), jnp.int32),
            pltpu.VMEM((CHUNK, D_MODEL), jnp.float32),
            pltpu.SemaphoreType.DMA,
        ],
    )(_sc_scatter_body)
    return fn(flat, p01)


def _gemm_body(eid_ref, xg_ref, gw_ref, uw_ref, dw_ref, yg_ref):
    del eid_ref
    xb = xg_ref[...].astype(jnp.bfloat16)
    g = _nt(xb, gw_ref[0].astype(jnp.bfloat16))
    u = _nt(xb, uw_ref[0].astype(jnp.bfloat16))
    h = ((g * jax.nn.sigmoid(g)) * u).astype(jnp.bfloat16)
    yg_ref[...] = _nt(h, dw_ref[0].astype(jnp.bfloat16))


def _grouped_gemm(xg, eid, gate_ws, up_ws, down_ws):
    grid_spec = pltpu.PrefetchScalarGridSpec(
        num_scalar_prefetch=1,
        grid=(N_BLK,),
        in_specs=[
            pl.BlockSpec((BLK_T, D_MODEL), lambda i, eid: (i, 0)),
            pl.BlockSpec((1, INTER, D_MODEL), lambda i, eid: (eid[i], 0, 0)),
            pl.BlockSpec((1, INTER, D_MODEL), lambda i, eid: (eid[i], 0, 0)),
            pl.BlockSpec((1, D_MODEL, INTER), lambda i, eid: (eid[i], 0, 0)),
        ],
        out_specs=pl.BlockSpec((BLK_T, D_MODEL), lambda i, eid: (i, 0)),
    )
    return pl.pallas_call(
        _gemm_body,
        grid_spec=grid_spec,
        out_shape=jax.ShapeDtypeStruct((XG_ROWS, D_MODEL), jnp.float32),
    )(eid, xg, gate_ws, up_ws, down_ws)


def _sc_gather_body(yg_hbm, p01_hbm, a01_hbm, idx_v, rows_v, sem):
    wid = lax.axis_index("s") * 2 + lax.axis_index("c")
    for j in range(4):
        abase = wid * 256 + j * CHUNK
        pltpu.sync_copy(p01_hbm.at[pl.ds(abase, CHUNK)], idx_v)
        pltpu.async_copy(yg_hbm.at[idx_v], rows_v, sem).wait()
        pltpu.sync_copy(rows_v, a01_hbm.at[pl.ds(abase, CHUNK)])


def _sc_gather(yg, p01):
    mesh = plsc.VectorSubcoreMesh(core_axis_name="c", subcore_axis_name="s")
    fn = functools.partial(
        pl.kernel,
        out_type=jax.ShapeDtypeStruct((2 * N_TOK, D_MODEL), jnp.float32),
        mesh=mesh,
        scratch_types=[
            pltpu.VMEM((CHUNK,), jnp.int32),
            pltpu.VMEM((CHUNK, D_MODEL), jnp.float32),
            pltpu.SemaphoreType.DMA,
        ],
    )(_sc_gather_body)
    return fn(yg, p01)


def _combine_body(sh_ref, a0_ref, a1_ref, p_ref, out_ref):
    lane = lax.broadcasted_iota(jnp.int32, p_ref.shape, 1)
    w0 = jnp.sum(jnp.where(lane == 2, p_ref[...], 0.0), axis=1, keepdims=True)
    w1 = jnp.sum(jnp.where(lane == 3, p_ref[...], 0.0), axis=1, keepdims=True)
    out_ref[...] = (sh_ref[...].astype(jnp.float32)
                    + w0 * a0_ref[...] + w1 * a1_ref[...])


def _combine(sh, a01, p):
    tb = 1024
    return pl.pallas_call(
        _combine_body,
        grid=(N_TOK // tb,),
        in_specs=[
            pl.BlockSpec((tb, D_MODEL), lambda i: (i, 0)),
            pl.BlockSpec((tb, D_MODEL), lambda i: (i, 0)),
            pl.BlockSpec((tb, D_MODEL), lambda i: (i + N_TOK // tb, 0)),
            pl.BlockSpec((tb, NUM_E), lambda i: (i, 0)),
        ],
        out_specs=pl.BlockSpec((tb, D_MODEL), lambda i: (i, 0)),
        out_shape=jax.ShapeDtypeStruct((N_TOK, D_MODEL), jnp.float32),
    )(sh, a01, a01, p)


def kernel(x, router_w, router_bias, shared_gate_w, shared_up_w,
           shared_down_w, gate_ws, up_ws, down_ws):
    b, s, d = x.shape
    flat = x.reshape(b * s, d)
    rb = router_bias.reshape(1, NUM_E)

    p, eid = _route(flat, router_w, rb)
    p01 = jnp.concatenate([p[:, 0], p[:, 1]]).astype(jnp.int32)
    xg = _sc_scatter(flat, p01)
    sh = _shared(flat, shared_gate_w, shared_up_w, shared_down_w)
    yg = _grouped_gemm(xg, eid.reshape(64), gate_ws, up_ws, down_ws)
    a01 = _sc_gather(yg, p01)
    out = _combine(sh, a01, p)
    return out.reshape(b, s, d)

# --- scband reference (transcript-rebuilt; emitter-appended) ---
"""Pipeline reference for scband-deep-seek-mo-e-4956392259707 (READ-ONLY COPY).

The authoritative reference and input builder live on the scoring server;
editing this copy changes nothing except your own understanding.
"""

import jax, jax.numpy as jnp
import numpy as np

D_MODEL = 1024
INTER = 512
E = 8
TOP_K = 2


def setup_inputs(seed: int = 0) -> dict:
    key = jax.random.key(seed)
    ks = jax.random.split(key, 9)
    s = 0.02
    x = jax.random.normal(ks[0], (2, 2048, D_MODEL), dtype=jnp.float32)
    return {
        "x": x,
        "router_w": jax.random.normal(ks[1], (E, D_MODEL), dtype=jnp.float32) * s,
        "router_bias": jnp.zeros((E,), dtype=jnp.float32),
        "shared_gate_w": jax.random.normal(ks[2], (INTER, D_MODEL), dtype=jnp.float32) * s,
        "shared_up_w": jax.random.normal(ks[3], (INTER, D_MODEL), dtype=jnp.float32) * s,
        "shared_down_w": jax.random.normal(ks[4], (D_MODEL, INTER), dtype=jnp.float32) * s,
        "gate_ws": jax.random.normal(ks[5], (E, INTER, D_MODEL), dtype=jnp.float32) * s,
        "up_ws": jax.random.normal(ks[6], (E, INTER, D_MODEL), dtype=jnp.float32) * s,
        "down_ws": jax.random.normal(ks[7], (E, D_MODEL, INTER), dtype=jnp.float32) * s,
    }


def reference(x, router_w, router_bias, shared_gate_w, shared_up_w, shared_down_w, gate_ws, up_ws, down_ws):
    b, s, d = x.shape
    flat = x.reshape(-1, d)
    n = flat.shape[0]
    silu = jax.nn.silu
    # shared expert (num_shared_experts = 1)
    shared = (silu(flat @ shared_gate_w.T) * (flat @ shared_up_w.T)) @ shared_down_w.T
    # router
    logits = flat @ router_w.T + router_bias
    rw = jax.nn.softmax(logits, axis=1)
    topk_w, topk_idx = jax.lax.top_k(rw, TOP_K)
    topk_w = topk_w / jnp.sum(topk_w, axis=-1, keepdims=True)
    # scatter top-k weights into dense [n, E] mask (torch scatter_ dim=1)
    expert_weights = jnp.zeros((n, E), dtype=rw.dtype).at[jnp.arange(n)[:, None], topk_idx].set(topk_w)
    # dense evaluation of every routed expert on every token (faithful to torch code)
    g = jnp.einsum('nd,eid->nei', flat, gate_ws)
    u = jnp.einsum('nd,eid->nei', flat, up_ws)
    h = silu(g) * u
    expert_outputs = jnp.einsum('nei,edi->ned', h, down_ws)
    weighted = jnp.sum(expert_outputs * expert_weights[:, :, None], axis=1)
    return (shared + weighted).reshape(b, s, d)

if __name__ == "__main__":
    import jax
    _d = setup_inputs()
    print(jax.jit(kernel)(*tuple(_d.values())))

</pallas_src>

<mosaic_0001>
#map = affine_map<(d0, d1) -> (0, 0)>
#map1 = affine_map<(d0, d1) -> (0)>
module attributes {stable_mosaic.version = 14 : i64} {
  func.func @_sc_gather_body(%arg0: i32, %arg1: i32, %arg2: memref<10240x1024xf32, #tpu.memory_space<hbm>>, %arg3: memref<8192xi32, #tpu.memory_space<hbm>>, %arg4: memref<8192x1024xf32, #tpu.memory_space<hbm>>, %arg5: memref<64xi32, #tpu.memory_space<vmem>>, %arg6: memref<64x1024xf32, #tpu.memory_space<vmem>>, %arg7: memref<!tpu.dma_semaphore, #tpu.memory_space<semaphore_mem>>) attributes {dimension_semantics = [#tpu.dimension_semantics<core_parallel>, #tpu.dimension_semantics<subcore_parallel>], iteration_bounds = array<i64: 2, 16>, scalar_prefetch = 0 : i64, scratch_operands = 3 : i64, tpu.core_type = #tpu.core_type<sc_vector_subcore>, window_params = [{transform_indices = #map}, {transform_indices = #map1}, {transform_indices = #map}]} {
    %mul3A = arith.constant 2 : i32
    %mul3A_0 = arith.muli %arg1, %mul3A : i32
    %add3A = arith.addi %mul3A_0, %arg0 : i32
    %mul3A_1 = arith.constant 256 : i32
    %mul3A_2 = arith.muli %add3A, %mul3A_1 : i32
    %add3A_3 = arith.constant 0 : i32
    %add3A_4 = arith.addi %mul3A_2, %add3A_3 : i32
    "tpu.region"() ({
      %run_scoped3A = tpu.sem_alloc : memref<!tpu.dma_semaphore, #tpu.memory_space<semaphore_mem>>
      %dma_start3A_39 = tpu.memref_slice %arg3[%add3A_4] : memref<8192xi32, #tpu.memory_space<hbm>> -> memref<64xi32, #tpu.memory_space<hbm>>
      %dma_start3A_40 = tpu.memref_slice %arg3[%add3A_4] : memref<8192xi32, #tpu.memory_space<hbm>> -> memref<64xi32, #tpu.memory_space<hbm>>
      tpu.enqueue_dma source(%dma_start3A_40 : memref<64xi32, #tpu.memory_space<hbm>>) target(%arg5 : memref<64xi32, #tpu.memory_space<vmem>>) target_semaphore(%run_scoped3A : memref<!tpu.dma_semaphore, #tpu.memory_space<semaphore_mem>>)
      %dma_wait3A_41 = tpu.memref_slice %arg3[%add3A_4] : memref<8192xi32, #tpu.memory_space<hbm>> -> memref<64xi32, #tpu.memory_space<hbm>>
      %dma_wait3A_42 = tpu.memref_slice %arg3[%add3A_4] : memref<8192xi32, #tpu.memory_space<hbm>> -> memref<64xi32, #tpu.memory_space<hbm>>
      tpu.wait_dma2 semaphore(%run_scoped3A : memref<!tpu.dma_semaphore, #tpu.memory_space<semaphore_mem>>) src(%dma_wait3A_42 : memref<64xi32, #tpu.memory_space<hbm>>) dst(%arg5 : memref<64xi32, #tpu.memory_space<vmem>>)
      tpu.yield
    }) : () -> ()
    %dma_start3A = arith.constant 0 : i32
    %dma_start3A_5 = arith.constant 0 : i32
    %dma_start3A_6 = tpu.memref_slice %arg2[%dma_start3A, %dma_start3A_5] : memref<10240x1024xf32, #tpu.memory_space<hbm>> -> memref<10240x1024xf32, #tpu.memory_space<hbm>>
    tpu.enqueue_indirect_dma source(%dma_start3A_6 : memref<10240x1024xf32, #tpu.memory_space<hbm>>) target(%arg6 : memref<64x1024xf32, #tpu.memory_space<vmem>>) offsets(%arg5 : memref<64xi32, #tpu.memory_space<vmem>>) semaphore(%arg7 : memref<!tpu.dma_semaphore, #tpu.memory_space<semaphore_mem>>)
    %dma_wait3A = arith.constant 0 : i32
    %dma_wait3A_7 = arith.constant 0 : i32
    %dma_wait3A_8 = tpu.memref_slice %arg2[%dma_wait3A, %dma_wait3A_7] : memref<10240x1024xf32, #tpu.memory_space<hbm>> -> memref<10240x1024xf32, #tpu.memory_space<hbm>>
    tpu.wait_indirect_dma semaphore(%arg7 : memref<!tpu.dma_semaphore, #tpu.memory_space<semaphore_mem>>) src(%dma_wait3A_8 : memref<10240x1024xf32, #tpu.memory_space<hbm>>) dst(%arg6 : memref<64x1024xf32, #tpu.memory_space<vmem>>)
    "tpu.region"() ({
      %run_scoped3A = tpu.sem_alloc : memref<!tpu.dma_semaphore, #tpu.memory_space<semaphore_mem>>
      %dma_start3A_39 = arith.constant 0 : i32
      %dma_start3A_40 = tpu.memref_slice %arg4[%add3A_4, %dma_start3A_39] : memref<8192x1024xf32, #tpu.memory_space<hbm>> -> memref<64x1024xf32, #tpu.memory_space<hbm>>
      %dma_start3A_41 = arith.constant 0 : i32
      %dma_start3A_42 = tpu.memref_slice %arg4[%add3A_4, %dma_start3A_41] : memref<8192x1024xf32, #tpu.memory_space<hbm>> -> memref<64x1024xf32, #tpu.memory_space<hbm>>
      tpu.enqueue_dma source(%arg6 : memref<64x1024xf32, #tpu.memory_space<vmem>>) target(%dma_start3A_42 : memref<64x1024xf32, #tpu.memory_space<hbm>>) target_semaphore(%run_scoped3A : memref<!tpu.dma_semaphore, #tpu.memory_space<semaphore_mem>>)
      %dma_wait3A_43 = arith.constant 0 : i32
      %dma_wait3A_44 = tpu.memref_slice %arg4[%add3A_4, %dma_wait3A_43] : memref<8192x1024xf32, #tpu.memory_space<hbm>> -> memref<64x1024xf32, #tpu.memory_space<hbm>>
      %dma_wait3A_45 = arith.constant 0 : i32
      %dma_wait3A_46 = tpu.memref_slice %arg4[%add3A_4, %dma_wait3A_45] : memref<8192x1024xf32, #tpu.memory_space<hbm>> -> memref<64x1024xf32, #tpu.memory_space<hbm>>
      tpu.wait_dma2 semaphore(%run_scoped3A : memref<!tpu.dma_semaphore, #tpu.memory_space<semaphore_mem>>) src(%arg6 : memref<64x1024xf32, #tpu.memory_space<vmem>>) dst(%dma_wait3A_46 : memref<64x1024xf32, #tpu.memory_space<hbm>>)
      tpu.yield
    }) : () -> ()
    %mul3A_9 = arith.constant 256 : i32
    %mul3A_10 = arith.muli %add3A, %mul3A_9 : i32
    %add3A_11 = arith.constant 64 : i32
    %add3A_12 = arith.addi %mul3A_10, %add3A_11 : i32
    "tpu.region"() ({
      %run_scoped3A = tpu.sem_alloc : memref<!tpu.dma_semaphore, #tpu.memory_space<semaphore_mem>>
      %dma_start3A_39 = tpu.memref_slice %arg3[%add3A_12] : memref<8192xi32, #tpu.memory_space<hbm>> -> memref<64xi32, #tpu.memory_space<hbm>>
      %dma_start3A_40 = tpu.memref_slice %arg3[%add3A_12] : memref<8192xi32, #tpu.memory_space<hbm>> -> memref<64xi32, #tpu.memory_space<hbm>>
      tpu.enqueue_dma source(%dma_start3A_40 : memref<64xi32, #tpu.memory_space<hbm>>) target(%arg5 : memref<64xi32, #tpu.memory_space<vmem>>) target_semaphore(%run_scoped3A : memref<!tpu.dma_semaphore, #tpu.memory_space<semaphore_mem>>)
      %dma_wait3A_41 = tpu.memref_slice %arg3[%add3A_12] : memref<8192xi32, #tpu.memory_space<hbm>> -> memref<64xi32, #tpu.memory_space<hbm>>
      %dma_wait3A_42 = tpu.memref_slice %arg3[%add3A_12] : memref<8192xi32, #tpu.memory_space<hbm>> -> memref<64xi32, #tpu.memory_space<hbm>>
      tpu.wait_dma2 semaphore(%run_scoped3A : memref<!tpu.dma_semaphore, #tpu.memory_space<semaphore_mem>>) src(%dma_wait3A_42 : memref<64xi32, #tpu.memory_space<hbm>>) dst(%arg5 : memref<64xi32, #tpu.memory_space<vmem>>)
      tpu.yield
    }) : () -> ()
    %dma_start3A_13 = arith.constant 0 : i32
    %dma_start3A_14 = arith.constant 0 : i32
    %dma_start3A_15 = tpu.memref_slice %arg2[%dma_start3A_13, %dma_start3A_14] : memref<10240x1024xf32, #tpu.memory_space<hbm>> -> memref<10240x1024xf32, #tpu.memory_space<hbm>>
    tpu.enqueue_indirect_dma source(%dma_start3A_15 : memref<10240x1024xf32, #tpu.memory_space<hbm>>) target(%arg6 : memref<64x1024xf32, #tpu.memory_space<vmem>>) offsets(%arg5 : memref<64xi32, #tpu.memory_space<vmem>>) semaphore(%arg7 : memref<!tpu.dma_semaphore, #tpu.memory_space<semaphore_mem>>)
    %dma_wait3A_16 = arith.constant 0 : i32
    %dma_wait3A_17 = arith.constant 0 : i32
    %dma_wait3A_18 = tpu.memref_slice %arg2[%dma_wait3A_16, %dma_wait3A_17] : memref<10240x1024xf32, #tpu.memory_space<hbm>> -> memref<10240x1024xf32, #tpu.memory_space<hbm>>
    tpu.wait_indirect_dma semaphore(%arg7 : memref<!tpu.dma_semaphore, #tpu.memory_space<semaphore_mem>>) src(%dma_wait3A_18 : memref<10240x1024xf32, #tpu.memory_space<hbm>>) dst(%arg6 : memref<64x1024xf32, #tpu.memory_space<vmem>>)
    "tpu.region"() ({
      %run_scoped3A = tpu.sem_alloc : memref<!tpu.dma_semaphore, #tpu.memory_space<semaphore_mem>>
      %dma_start3A_39 = arith.constant 0 : i32
      %dma_start3A_40 = tpu.memref_slice %arg4[%add3A_12, %dma_start3A_39] : memref<8192x1024xf32, #tpu.memory_space<hbm>> -> memref<64x1024xf32, #tpu.memory_space<hbm>>
      %dma_start3A_41 = arith.constant 0 : i32
      %dma_start3A_42 = tpu.memref_slice %arg4[%add3A_12, %dma_start3A_41] : memref<8192x1024xf32, #tpu.memory_space<hbm>> -> memref<64x1024xf32, #tpu.memory_space<hbm>>
      tpu.enqueue_dma source(%arg6 : memref<64x1024xf32, #tpu.memory_space<vmem>>) target(%dma_start3A_42 : memref<64x1024xf32, #tpu.memory_space<hbm>>) target_semaphore(%run_scoped3A : memref<!tpu.dma_semaphore, #tpu.memory_space<semaphore_mem>>)
      %dma_wait3A_43 = arith.constant 0 : i32
      %dma_wait3A_44 = tpu.memref_slice %arg4[%add3A_12, %dma_wait3A_43] : memref<8192x1024xf32, #tpu.memory_space<hbm>> -> memref<64x1024xf32, #tpu.memory_space<hbm>>
      %dma_wait3A_45 = arith.constant 0 : i32
      %dma_wait3A_46 = tpu.memref_slice %arg4[%add3A_12, %dma_wait3A_45] : memref<8192x1024xf32, #tpu.memory_space<hbm>> -> memref<64x1024xf32, #tpu.memory_space<hbm>>
      tpu.wait_dma2 semaphore(%run_scoped3A : memref<!tpu.dma_semaphore, #tpu.memory_space<semaphore_mem>>) src(%arg6 : memref<64x1024xf32, #tpu.memory_space<vmem>>) dst(%dma_wait3A_46 : memref<64x1024xf32, #tpu.memory_space<hbm>>)
      tpu.yield
    }) : () -> ()
    %mul3A_19 = arith.constant 256 : i32
    %mul3A_20 = arith.muli %add3A, %mul3A_19 : i32
    %add3A_21 = arith.constant 128 : i32
    %add3A_22 = arith.addi %mul3A_20, %add3A_21 : i32
    "tpu.region"() ({
      %run_scoped3A = tpu.sem_alloc : memref<!tpu.dma_semaphore, #tpu.memory_space<semaphore_mem>>
      %dma_start3A_39 = tpu.memref_slice %arg3[%add3A_22] : memref<8192xi32, #tpu.memory_space<hbm>> -> memref<64xi32, #tpu.memory_space<hbm>>
      %dma_start3A_40 = tpu.memref_slice %arg3[%add3A_22] : memref<8192xi32, #tpu.memory_space<hbm>> -> memref<64xi32, #tpu.memory_space<hbm>>
      tpu.enqueue_dma source(%dma_start3A_40 : memref<64xi32, #tpu.memory_space<hbm>>) target(%arg5 : memref<64xi32, #tpu.memory_space<vmem>>) target_semaphore(%run_scoped3A : memref<!tpu.dma_semaphore, #tpu.memory_space<semaphore_mem>>)
      %dma_wait3A_41 = tpu.memref_slice %arg3[%add3A_22] : memref<8192xi32, #tpu.memory_space<hbm>> -> memref<64xi32, #tpu.memory_space<hbm>>
      %dma_wait3A_42 = tpu.memref_slice %arg3[%add3A_22] : memref<8192xi32, #tpu.memory_space<hbm>> -> memref<64xi32, #tpu.memory_space<hbm>>
      tpu.wait_dma2 semaphore(%run_scoped3A : memref<!tpu.dma_semaphore, #tpu.memory_space<semaphore_mem>>) src(%dma_wait3A_42 : memref<64xi32, #tpu.memory_space<hbm>>) dst(%arg5 : memref<64xi32, #tpu.memory_space<vmem>>)
      tpu.yield
    }) : () -> ()
    %dma_start3A_23 = arith.constant 0 : i32
    %dma_start3A_24 = arith.constant 0 : i32
    %dma_start3A_25 = tpu.memref_slice %arg2[%dma_start3A_23, %dma_start3A_24] : memref<10240x1024xf32, #tpu.memory_space<hbm>> -> memref<10240x1024xf32, #tpu.memory_space<hbm>>
    tpu.enqueue_indirect_dma source(%dma_start3A_25 : memref<10240x1024xf32, #tpu.memory_space<hbm>>) target(%arg6 : memref<64x1024xf32, #tpu.memory_space<vmem>>) offsets(%arg5 : memref<64xi32, #tpu.memory_space<vmem>>) semaphore(%arg7 : memref<!tpu.dma_semaphore, #tpu.memory_space<semaphore_mem>>)
    %dma_wait3A_26 = arith.constant 0 : i32
    %dma_wait3A_27 = arith.constant 0 : i32
    %dma_wait3A_28 = tpu.memref_slice %arg2[%dma_wait3A_26, %dma_wait3A_27] : memref<10240x1024xf32, #tpu.memory_space<hbm>> -> memref<10240x1024xf32, #tpu.memory_space<hbm>>
    tpu.wait_indirect_dma semaphore(%arg7 : memref<!tpu.dma_semaphore, #tpu.memory_space<semaphore_mem>>) src(%dma_wait3A_28 : memref<10240x1024xf32, #tpu.memory_space<hbm>>) dst(%arg6 : memref<64x1024xf32, #tpu.memory_space<vmem>>)
    "tpu.region"() ({
      %run_scoped3A = tpu.sem_alloc : memref<!tpu.dma_semaphore, #tpu.memory_space<semaphore_mem>>
      %dma_start3A_39 = arith.constant 0 : i32
      %dma_start3A_40 = tpu.memref_slice %arg4[%add3A_22, %dma_start3A_39] : memref<8192x1024xf32, #tpu.memory_space<hbm>> -> memref<64x1024xf32, #tpu.memory_space<hbm>>
      %dma_start3A_41 = arith.constant 0 : i32
      %dma_start3A_42 = tpu.memref_slice %arg4[%add3A_22, %dma_start3A_41] : memref<8192x1024xf32, #tpu.memory_space<hbm>> -> memref<64x1024xf32, #tpu.memory_space<hbm>>
      tpu.enqueue_dma source(%arg6 : memref<64x1024xf32, #tpu.memory_space<vmem>>) target(%dma_start3A_42 : memref<64x1024xf32, #tpu.memory_space<hbm>>) target_semaphore(%run_scoped3A : memref<!tpu.dma_semaphore, #tpu.memory_space<semaphore_mem>>)
      %dma_wait3A_43 = arith.constant 0 : i32
      %dma_wait3A_44 = tpu.memref_slice %arg4[%add3A_22, %dma_wait3A_43] : memref<8192x1024xf32, #tpu.memory_space<hbm>> -> memref<64x1024xf32, #tpu.memory_space<hbm>>
      %dma_wait3A_45 = arith.constant 0 : i32
      %dma_wait3A_46 = tpu.memref_slice %arg4[%add3A_22, %dma_wait3A_45] : memref<8192x1024xf32, #tpu.memory_space<hbm>> -> memref<64x1024xf32, #tpu.memory_space<hbm>>
      tpu.wait_dma2 semaphore(%run_scoped3A : memref<!tpu.dma_semaphore, #tpu.memory_space<semaphore_mem>>) src(%arg6 : memref<64x1024xf32, #tpu.memory_space<vmem>>) dst(%dma_wait3A_46 : memref<64x1024xf32, #tpu.memory_space<hbm>>)
      tpu.yield
    }) : () -> ()
    %mul3A_29 = arith.constant 256 : i32
    %mul3A_30 = arith.muli %add3A, %mul3A_29 : i32
    %add3A_31 = arith.constant 192 : i32
    %add3A_32 = arith.addi %mul3A_30, %add3A_31 : i32
    "tpu.region"() ({
      %run_scoped3A = tpu.sem_alloc : memref<!tpu.dma_semaphore, #tpu.memory_space<semaphore_mem>>
      %dma_start3A_39 = tpu.memref_slice %arg3[%add3A_32] : memref<8192xi32, #tpu.memory_space<hbm>> -> memref<64xi32, #tpu.memory_space<hbm>>
      %dma_start3A_40 = tpu.memref_slice %arg3[%add3A_32] : memref<8192xi32, #tpu.memory_space<hbm>> -> memref<64xi32, #tpu.memory_space<hbm>>
      tpu.enqueue_dma source(%dma_start3A_40 : memref<64xi32, #tpu.memory_space<hbm>>) target(%arg5 : memref<64xi32, #tpu.memory_space<vmem>>) target_semaphore(%run_scoped3A : memref<!tpu.dma_semaphore, #tpu.memory_space<semaphore_mem>>)
      %dma_wait3A_41 = tpu.memref_slice %arg3[%add3A_32] : memref<8192xi32, #tpu.memory_space<hbm>> -> memref<64xi32, #tpu.memory_space<hbm>>
      %dma_wait3A_42 = tpu.memref_slice %arg3[%add3A_32] : memref<8192xi32, #tpu.memory_space<hbm>> -> memref<64xi32, #tpu.memory_space<hbm>>
      tpu.wait_dma2 semaphore(%run_scoped3A : memref<!tpu.dma_semaphore, #tpu.memory_space<semaphore_mem>>) src(%dma_wait3A_42 : memref<64xi32, #tpu.memory_space<hbm>>) dst(%arg5 : memref<64xi32, #tpu.memory_space<vmem>>)
      tpu.yield
    }) : () -> ()
    %dma_start3A_33 = arith.constant 0 : i32
    %dma_start3A_34 = arith.constant 0 : i32
    %dma_start3A_35 = tpu.memref_slice %arg2[%dma_start3A_33, %dma_start3A_34] : memref<10240x1024xf32, #tpu.memory_space<hbm>> -> memref<10240x1024xf32, #tpu.memory_space<hbm>>
    tpu.enqueue_indirect_dma source(%dma_start3A_35 : memref<10240x1024xf32, #tpu.memory_space<hbm>>) target(%arg6 : memref<64x1024xf32, #tpu.memory_space<vmem>>) offsets(%arg5 : memref<64xi32, #tpu.memory_space<vmem>>) semaphore(%arg7 : memref<!tpu.dma_semaphore, #tpu.memory_space<semaphore_mem>>)
    %dma_wait3A_36 = arith.constant 0 : i32
    %dma_wait3A_37 = arith.constant 0 : i32
    %dma_wait3A_38 = tpu.memref_slice %arg2[%dma_wait3A_36, %dma_wait3A_37] : memref<10240x1024xf32, #tpu.memory_space<hbm>> -> memref<10240x1024xf32, #tpu.memory_space<hbm>>
    tpu.wait_indirect_dma semaphore(%arg7 : memref<!tpu.dma_semaphore, #tpu.memory_space<semaphore_mem>>) src(%dma_wait3A_38 : memref<10240x1024xf32, #tpu.memory_space<hbm>>) dst(%arg6 : memref<64x1024xf32, #tpu.memory_space<vmem>>)
    "tpu.region"() ({
      %run_scoped3A = tpu.sem_alloc : memref<!tpu.dma_semaphore, #tpu.memory_space<semaphore_mem>>
      %dma_start3A_39 = arith.constant 0 : i32
      %dma_start3A_40 = tpu.memref_slice %arg4[%add3A_32, %dma_start3A_39] : memref<8192x1024xf32, #tpu.memory_space<hbm>> -> memref<64x1024xf32, #tpu.memory_space<hbm>>
      %dma_start3A_41 = arith.constant 0 : i32
      %dma_start3A_42 = tpu.memref_slice %arg4[%add3A_32, %dma_start3A_41] : memref<8192x1024xf32, #tpu.memory_space<hbm>> -> memref<64x1024xf32, #tpu.memory_space<hbm>>
      tpu.enqueue_dma source(%arg6 : memref<64x1024xf32, #tpu.memory_space<vmem>>) target(%dma_start3A_42 : memref<64x1024xf32, #tpu.memory_space<hbm>>) target_semaphore(%run_scoped3A : memref<!tpu.dma_semaphore, #tpu.memory_space<semaphore_mem>>)
      %dma_wait3A_43 = arith.constant 0 : i32
      %dma_wait3A_44 = tpu.memref_slice %arg4[%add3A_32, %dma_wait3A_43] : memref<8192x1024xf32, #tpu.memory_space<hbm>> -> memref<64x1024xf32, #tpu.memory_space<hbm>>
      %dma_wait3A_45 = arith.constant 0 : i32
      %dma_wait3A_46 = tpu.memref_slice %arg4[%add3A_32, %dma_wait3A_45] : memref<8192x1024xf32, #tpu.memory_space<hbm>> -> memref<64x1024xf32, #tpu.memory_space<hbm>>
      tpu.wait_dma2 semaphore(%run_scoped3A : memref<!tpu.dma_semaphore, #tpu.memory_space<semaphore_mem>>) src(%arg6 : memref<64x1024xf32, #tpu.memory_space<vmem>>) dst(%dma_wait3A_46 : memref<64x1024xf32, #tpu.memory_space<hbm>>)
      tpu.yield
    }) : () -> ()
    return
  }
}

#map = affine_map<(d0, d1) -> (0, 0)>
#map1 = affine_map<(d0, d1) -> (0)>
module attributes {stable_mosaic.version = 14 : i64} {
  func.func @_sc_scatter_body(%arg0: i32, %arg1: i32, %arg2: memref<4096x1024xf32, #tpu.memory_space<hbm>>, %arg3: memref<8192xi32, #tpu.memory_space<hbm>>, %arg4: memref<10240x1024xf32, #tpu.memory_space<hbm>>, %arg5: memref<64xi32, #tpu.memory_space<vmem>>, %arg6: memref<64x1024xf32, #tpu.memory_space<vmem>>, %arg7: memref<!tpu.dma_semaphore, #tpu.memory_space<semaphore_mem>>) attributes {dimension_semantics = [#tpu.dimension_semantics<core_parallel>, #tpu.dimension_semantics<subcore_parallel>], iteration_bounds = array<i64: 2, 16>, scalar_prefetch = 0 : i64, scratch_operands = 3 : i64, tpu.core_type = #tpu.core_type<sc_vector_subcore>, window_params = [{transform_indices = #map}, {transform_indices = #map1}, {transform_indices = #map}]} {
    %mul3A = arith.constant 2 : i32
    %mul3A_0 = arith.muli %arg1, %mul3A : i32
    %add3A = arith.addi %mul3A_0, %arg0 : i32
    %mul3A_1 = arith.constant 256 : i32
    %mul3A_2 = arith.muli %add3A, %mul3A_1 : i32
    %add3A_3 = arith.constant 0 : i32
    %add3A_4 = arith.addi %mul3A_2, %add3A_3 : i32
    %rem3A = arith.constant 4096 : i32
    %rem3A_5 = arith.remsi %add3A_4, %rem3A : i32
    "tpu.region"() ({
      %run_scoped3A = tpu.sem_alloc : memref<!tpu.dma_semaphore, #tpu.memory_space<semaphore_mem>>
      %dma_start3A_46 = tpu.memref_slice %arg3[%add3A_4] : memref<8192xi32, #tpu.memory_space<hbm>> -> memref<64xi32, #tpu.memory_space<hbm>>
      %dma_start3A_47 = tpu.memref_slice %arg3[%add3A_4] : memref<8192xi32, #tpu.memory_space<hbm>> -> memref<64xi32, #tpu.memory_space<hbm>>
      tpu.enqueue_dma source(%dma_start3A_47 : memref<64xi32, #tpu.memory_space<hbm>>) target(%arg5 : memref<64xi32, #tpu.memory_space<vmem>>) target_semaphore(%run_scoped3A : memref<!tpu.dma_semaphore, #tpu.memory_space<semaphore_mem>>)
      %dma_wait3A_48 = tpu.memref_slice %arg3[%add3A_4] : memref<8192xi32, #tpu.memory_space<hbm>> -> memref<64xi32, #tpu.memory_space<hbm>>
      %dma_wait3A_49 = tpu.memref_slice %arg3[%add3A_4] : memref<8192xi32, #tpu.memory_space<hbm>> -> memref<64xi32, #tpu.memory_space<hbm>>
      tpu.wait_dma2 semaphore(%run_scoped3A : memref<!tpu.dma_semaphore, #tpu.memory_space<semaphore_mem>>) src(%dma_wait3A_49 : memref<64xi32, #tpu.memory_space<hbm>>) dst(%arg5 : memref<64xi32, #tpu.memory_space<vmem>>)
      tpu.yield
    }) : () -> ()
    "tpu.region"() ({
      %run_scoped3A = tpu.sem_alloc : memref<!tpu.dma_semaphore, #tpu.memory_space<semaphore_mem>>
      %dma_start3A_46 = arith.constant 0 : i32
      %dma_start3A_47 = tpu.memref_slice %arg2[%rem3A_5, %dma_start3A_46] : memref<4096x1024xf32, #tpu.memory_space<hbm>> -> memref<64x1024xf32, #tpu.memory_space<hbm>>
      %dma_start3A_48 = arith.constant 0 : i32
      %dma_start3A_49 = tpu.memref_slice %arg2[%rem3A_5, %dma_start3A_48] : memref<4096x1024xf32, #tpu.memory_space<hbm>> -> memref<64x1024xf32, #tpu.memory_space<hbm>>
      tpu.enqueue_dma source(%dma_start3A_49 : memref<64x1024xf32, #tpu.memory_space<hbm>>) target(%arg6 : memref<64x1024xf32, #tpu.memory_space<vmem>>) target_semaphore(%run_scoped3A : memref<!tpu.dma_semaphore, #tpu.memory_space<semaphore_mem>>)
      %dma_wait3A_50 = arith.constant 0 : i32
      %dma_wait3A_51 = tpu.memref_slice %arg2[%rem3A_5, %dma_wait3A_50] : memref<4096x1024xf32, #tpu.memory_space<hbm>> -> memref<64x1024xf32, #tpu.memory_space<hbm>>
      %dma_wait3A_52 = arith.constant 0 : i32
      %dma_wait3A_53 = tpu.memref_slice %arg2[%rem3A_5, %dma_wait3A_52] : memref<4096x1024xf32, #tpu.memory_space<hbm>> -> memref<64x1024xf32, #tpu.memory_space<hbm>>
      tpu.wait_dma2 semaphore(%run_scoped3A : memref<!tpu.dma_semaphore, #tpu.memory_space<semaphore_mem>>) src(%dma_wait3A_53 : memref<64x1024xf32, #tpu.memory_space<hbm>>) dst(%arg6 : memref<64x1024xf32, #tpu.memory_space<vmem>>)
      tpu.yield
    }) : () -> ()
    %dma_start3A = arith.constant 0 : i32
    %dma_start3A_6 = arith.constant 0 : i32
    %dma_start3A_7 = tpu.memref_slice %arg4[%dma_start3A, %dma_start3A_6] : memref<10240x1024xf32, #tpu.memory_space<hbm>> -> memref<10240x1024xf32, #tpu.memory_space<hbm>>
    tpu.enqueue_indirect_dma source(%arg6 : memref<64x1024xf32, #tpu.memory_space<vmem>>) target(%dma_start3A_7 : memref<10240x1024xf32, #tpu.memory_space<hbm>>) offsets(%arg5 : memref<64xi32, #tpu.memory_space<vmem>>) semaphore(%arg7 : memref<!tpu.dma_semaphore, #tpu.memory_space<semaphore_mem>>)
    %dma_wait3A = arith.constant 0 : i32
    %dma_wait3A_8 = arith.constant 0 : i32
    %dma_wait3A_9 = tpu.memref_slice %arg4[%dma_wait3A, %dma_wait3A_8] : memref<10240x1024xf32, #tpu.memory_space<hbm>> -> memref<10240x1024xf32, #tpu.memory_space<hbm>>
    tpu.wait_indirect_dma semaphore(%arg7 : memref<!tpu.dma_semaphore, #tpu.memory_space<semaphore_mem>>) src(%arg6 : memref<64x1024xf32, #tpu.memory_space<vmem>>) dst(%dma_wait3A_9 : memref<10240x1024xf32, #tpu.memory_space<hbm>>)
    %mul3A_10 = arith.constant 256 : i32
    %mul3A_11 = arith.muli %add3A, %mul3A_10 : i32
    %add3A_12 = arith.constant 64 : i32
    %add3A_13 = arith.addi %mul3A_11, %add3A_12 : i32
    %rem3A_14 = arith.constant 4096 : i32
    %rem3A_15 = arith.remsi %add3A_13, %rem3A_14 : i32
    "tpu.region"() ({
      %run_scoped3A = tpu.sem_alloc : memref<!tpu.dma_semaphore, #tpu.memory_space<semaphore_mem>>
      %dma_start3A_46 = tpu.memref_slice %arg3[%add3A_13] : memref<8192xi32, #tpu.memory_space<hbm>> -> memref<64xi32, #tpu.memory_space<hbm>>
      %dma_start3A_47 = tpu.memref_slice %arg3[%add3A_13] : memref<8192xi32, #tpu.memory_space<hbm>> -> memref<64xi32, #tpu.memory_space<hbm>>
      tpu.enqueue_dma source(%dma_start3A_47 : memref<64xi32, #tpu.memory_space<hbm>>) target(%arg5 : memref<64xi32, #tpu.memory_space<vmem>>) target_semaphore(%run_scoped3A : memref<!tpu.dma_semaphore, #tpu.memory_space<semaphore_mem>>)
      %dma_wait3A_48 = tpu.memref_slice %arg3[%add3A_13] : memref<8192xi32, #tpu.memory_space<hbm>> -> memref<64xi32, #tpu.memory_space<hbm>>
      %dma_wait3A_49 = tpu.memref_slice %arg3[%add3A_13] : memref<8192xi32, #tpu.memory_space<hbm>> -> memref<64xi32, #tpu.memory_space<hbm>>
      tpu.wait_dma2 semaphore(%run_scoped3A : memref<!tpu.dma_semaphore, #tpu.memory_space<semaphore_mem>>) src(%dma_wait3A_49 : memref<64xi32, #tpu.memory_space<hbm>>) dst(%arg5 : memref<64xi32, #tpu.memory_space<vmem>>)
      tpu.yield
    }) : () -> ()
    "tpu.region"() ({
      %run_scoped3A = tpu.sem_alloc : memref<!tpu.dma_semaphore, #tpu.memory_space<semaphore_mem>>
      %dma_start3A_46 = arith.constant 0 : i32
      %dma_start3A_47 = tpu.memref_slice %arg2[%rem3A_15, %dma_start3A_46] : memref<4096x1024xf32, #tpu.memory_space<hbm>> -> memref<64x1024xf32, #tpu.memory_space<hbm>>
      %dma_start3A_48 = arith.constant 0 : i32
      %dma_start3A_49 = tpu.memref_slice %arg2[%rem3A_15, %dma_start3A_48] : memref<4096x1024xf32, #tpu.memory_space<hbm>> -> memref<64x1024xf32, #tpu.memory_space<hbm>>
      tpu.enqueue_dma source(%dma_start3A_49 : memref<64x1024xf32, #tpu.memory_space<hbm>>) target(%arg6 : memref<64x1024xf32, #tpu.memory_space<vmem>>) target_semaphore(%run_scoped3A : memref<!tpu.dma_semaphore, #tpu.memory_space<semaphore_mem>>)
      %dma_wait3A_50 = arith.constant 0 : i32
      %dma_wait3A_51 = tpu.memref_slice %arg2[%rem3A_15, %dma_wait3A_50] : memref<4096x1024xf32, #tpu.memory_space<hbm>> -> memref<64x1024xf32, #tpu.memory_space<hbm>>
      %dma_wait3A_52 = arith.constant 0 : i32
      %dma_wait3A_53 = tpu.memref_slice %arg2[%rem3A_15, %dma_wait3A_52] : memref<4096x1024xf32, #tpu.memory_space<hbm>> -> memref<64x1024xf32, #tpu.memory_space<hbm>>
      tpu.wait_dma2 semaphore(%run_scoped3A : memref<!tpu.dma_semaphore, #tpu.memory_space<semaphore_mem>>) src(%dma_wait3A_53 : memref<64x1024xf32, #tpu.memory_space<hbm>>) dst(%arg6 : memref<64x1024xf32, #tpu.memory_space<vmem>>)
      tpu.yield
    }) : () -> ()
    %dma_start3A_16 = arith.constant 0 : i32
    %dma_start3A_17 = arith.constant 0 : i32
    %dma_start3A_18 = tpu.memref_slice %arg4[%dma_start3A_16, %dma_start3A_17] : memref<10240x1024xf32, #tpu.memory_space<hbm>> -> memref<10240x1024xf32, #tpu.memory_space<hbm>>
    tpu.enqueue_indirect_dma source(%arg6 : memref<64x1024xf32, #tpu.memory_space<vmem>>) target(%dma_start3A_18 : memref<10240x1024xf32, #tpu.memory_space<hbm>>) offsets(%arg5 : memref<64xi32, #tpu.memory_space<vmem>>) semaphore(%arg7 : memref<!tpu.dma_semaphore, #tpu.memory_space<semaphore_mem>>)
    %dma_wait3A_19 = arith.constant 0 : i32
    %dma_wait3A_20 = arith.constant 0 : i32
    %dma_wait3A_21 = tpu.memref_slice %arg4[%dma_wait3A_19, %dma_wait3A_20] : memref<10240x1024xf32, #tpu.memory_space<hbm>> -> memref<10240x1024xf32, #tpu.memory_space<hbm>>
    tpu.wait_indirect_dma semaphore(%arg7 : memref<!tpu.dma_semaphore, #tpu.memory_space<semaphore_mem>>) src(%arg6 : memref<64x1024xf32, #tpu.memory_space<vmem>>) dst(%dma_wait3A_21 : memref<10240x1024xf32, #tpu.memory_space<hbm>>)
    %mul3A_22 = arith.constant 256 : i32
    %mul3A_23 = arith.muli %add3A, %mul3A_22 : i32
    %add3A_24 = arith.constant 128 : i32
    %add3A_25 = arith.addi %mul3A_23, %add3A_24 : i32
    %rem3A_26 = arith.constant 4096 : i32
    %rem3A_27 = arith.remsi %add3A_25, %rem3A_26 : i32
    "tpu.region"() ({
      %run_scoped3A = tpu.sem_alloc : memref<!tpu.dma_semaphore, #tpu.memory_space<semaphore_mem>>
      %dma_start3A_46 = tpu.memref_slice %arg3[%add3A_25] : memref<8192xi32, #tpu.memory_space<hbm>> -> memref<64xi32, #tpu.memory_space<hbm>>
      %dma_start3A_47 = tpu.memref_slice %arg3[%add3A_25] : memref<8192xi32, #tpu.memory_space<hbm>> -> memref<64xi32, #tpu.memory_space<hbm>>
      tpu.enqueue_dma source(%dma_start3A_47 : memref<64xi32, #tpu.memory_space<hbm>>) target(%arg5 : memref<64xi32, #tpu.memory_space<vmem>>) target_semaphore(%run_scoped3A : memref<!tpu.dma_semaphore, #tpu.memory_space<semaphore_mem>>)
      %dma_wait3A_48 = tpu.memref_slice %arg3[%add3A_25] : memref<8192xi32, #tpu.memory_space<hbm>> -> memref<64xi32, #tpu.memory_space<hbm>>
      %dma_wait3A_49 = tpu.memref_slice %arg3[%add3A_25] : memref<8192xi32, #tpu.memory_space<hbm>> -> memref<64xi32, #tpu.memory_space<hbm>>
      tpu.wait_dma2 semaphore(%run_scoped3A : memref<!tpu.dma_semaphore, #tpu.memory_space<semaphore_mem>>) src(%dma_wait3A_49 : memref<64xi32, #tpu.memory_space<hbm>>) dst(%arg5 : memref<64xi32, #tpu.memory_space<vmem>>)
      tpu.yield
    }) : () -> ()
    "tpu.region"() ({
      %run_scoped3A = tpu.sem_alloc : memref<!tpu.dma_semaphore, #tpu.memory_space<semaphore_mem>>
      %dma_start3A_46 = arith.constant 0 : i32
      %dma_start3A_47 = tpu.memref_slice %arg2[%rem3A_27, %dma_start3A_46] : memref<4096x1024xf32, #tpu.memory_space<hbm>> -> memref<64x1024xf32, #tpu.memory_space<hbm>>
      %dma_start3A_48 = arith.constant 0 : i32
      %dma_start3A_49 = tpu.memref_slice %arg2[%rem3A_27, %dma_start3A_48] : memref<4096x1024xf32, #tpu.memory_space<hbm>> -> memref<64x1024xf32, #tpu.memory_space<hbm>>
      tpu.enqueue_dma source(%dma_start3A_49 : memref<64x1024xf32, #tpu.memory_space<hbm>>) target(%arg6 : memref<64x1024xf32, #tpu.memory_space<vmem>>) target_semaphore(%run_scoped3A : memref<!tpu.dma_semaphore, #tpu.memory_space<semaphore_mem>>)
      %dma_wait3A_50 = arith.constant 0 : i32
      %dma_wait3A_51 = tpu.memref_slice %arg2[%rem3A_27, %dma_wait3A_50] : memref<4096x1024xf32, #tpu.memory_space<hbm>> -> memref<64x1024xf32, #tpu.memory_space<hbm>>
      %dma_wait3A_52 = arith.constant 0 : i32
      %dma_wait3A_53 = tpu.memref_slice %arg2[%rem3A_27, %dma_wait3A_52] : memref<4096x1024xf32, #tpu.memory_space<hbm>> -> memref<64x1024xf32, #tpu.memory_space<hbm>>
      tpu.wait_dma2 semaphore(%run_scoped3A : memref<!tpu.dma_semaphore, #tpu.memory_space<semaphore_mem>>) src(%dma_wait3A_53 : memref<64x1024xf32, #tpu.memory_space<hbm>>) dst(%arg6 : memref<64x1024xf32, #tpu.memory_space<vmem>>)
      tpu.yield
    }) : () -> ()
    %dma_start3A_28 = arith.constant 0 : i32
    %dma_start3A_29 = arith.constant 0 : i32
    %dma_start3A_30 = tpu.memref_slice %arg4[%dma_start3A_28, %dma_start3A_29] : memref<10240x1024xf32, #tpu.memory_space<hbm>> -> memref<10240x1024xf32, #tpu.memory_space<hbm>>
    tpu.enqueue_indirect_dma source(%arg6 : memref<64x1024xf32, #tpu.memory_space<vmem>>) target(%dma_start3A_30 : memref<10240x1024xf32, #tpu.memory_space<hbm>>) offsets(%arg5 : memref<64xi32, #tpu.memory_space<vmem>>) semaphore(%arg7 : memref<!tpu.dma_semaphore, #tpu.memory_space<semaphore_mem>>)
    %dma_wait3A_31 = arith.constant 0 : i32
    %dma_wait3A_32 = arith.constant 0 : i32
    %dma_wait3A_33 = tpu.memref_slice %arg4[%dma_wait3A_31, %dma_wait3A_32] : memref<10240x1024xf32, #tpu.memory_space<hbm>> -> memref<10240x1024xf32, #tpu.memory_space<hbm>>
    tpu.wait_indirect_dma semaphore(%arg7 : memref<!tpu.dma_semaphore, #tpu.memory_space<semaphore_mem>>) src(%arg6 : memref<64x1024xf32, #tpu.memory_space<vmem>>) dst(%dma_wait3A_33 : memref<10240x1024xf32, #tpu.memory_space<hbm>>)
    %mul3A_34 = arith.constant 256 : i32
    %mul3A_35 = arith.muli %add3A, %mul3A_34 : i32
    %add3A_36 = arith.constant 192 : i32
    %add3A_37 = arith.addi %mul3A_35, %add3A_36 : i32
    %rem3A_38 = arith.constant 4096 : i32
    %rem3A_39 = arith.remsi %add3A_37, %rem3A_38 : i32
    "tpu.region"() ({
      %run_scoped3A = tpu.sem_alloc : memref<!tpu.dma_semaphore, #tpu.memory_space<semaphore_mem>>
      %dma_start3A_46 = tpu.memref_slice %arg3[%add3A_37] : memref<8192xi32, #tpu.memory_space<hbm>> -> memref<64xi32, #tpu.memory_space<hbm>>
      %dma_start3A_47 = tpu.memref_slice %arg3[%add3A_37] : memref<8192xi32, #tpu.memory_space<hbm>> -> memref<64xi32, #tpu.memory_space<hbm>>
      tpu.enqueue_dma source(%dma_start3A_47 : memref<64xi32, #tpu.memory_space<hbm>>) target(%arg5 : memref<64xi32, #tpu.memory_space<vmem>>) target_semaphore(%run_scoped3A : memref<!tpu.dma_semaphore, #tpu.memory_space<semaphore_mem>>)
      %dma_wait3A_48 = tpu.memref_slice %arg3[%add3A_37] : memref<8192xi32, #tpu.memory_space<hbm>> -> memref<64xi32, #tpu.memory_space<hbm>>
      %dma_wait3A_49 = tpu.memref_slice %arg3[%add3A_37] : memref<8192xi32, #tpu.memory_space<hbm>> -> memref<64xi32, #tpu.memory_space<hbm>>
      tpu.wait_dma2 semaphore(%run_scoped3A : memref<!tpu.dma_semaphore, #tpu.memory_space<semaphore_mem>>) src(%dma_wait3A_49 : memref<64xi32, #tpu.memory_space<hbm>>) dst(%arg5 : memref<64xi32, #tpu.memory_space<vmem>>)
      tpu.yield
    }) : () -> ()
    "tpu.region"() ({
      %run_scoped3A = tpu.sem_alloc : memref<!tpu.dma_semaphore, #tpu.memory_space<semaphore_mem>>
      %dma_start3A_46 = arith.constant 0 : i32
      %dma_start3A_47 = tpu.memref_slice %arg2[%rem3A_39, %dma_start3A_46] : memref<4096x1024xf32, #tpu.memory_space<hbm>> -> memref<64x1024xf32, #tpu.memory_space<hbm>>
      %dma_start3A_48 = arith.constant 0 : i32
      %dma_start3A_49 = tpu.memref_slice %arg2[%rem3A_39, %dma_start3A_48] : memref<4096x1024xf32, #tpu.memory_space<hbm>> -> memref<64x1024xf32, #tpu.memory_space<hbm>>
      tpu.enqueue_dma source(%dma_start3A_49 : memref<64x1024xf32, #tpu.memory_space<hbm>>) target(%arg6 : memref<64x1024xf32, #tpu.memory_space<vmem>>) target_semaphore(%run_scoped3A : memref<!tpu.dma_semaphore, #tpu.memory_space<semaphore_mem>>)
      %dma_wait3A_50 = arith.constant 0 : i32
      %dma_wait3A_51 = tpu.memref_slice %arg2[%rem3A_39, %dma_wait3A_50] : memref<4096x1024xf32, #tpu.memory_space<hbm>> -> memref<64x1024xf32, #tpu.memory_space<hbm>>
      %dma_wait3A_52 = arith.constant 0 : i32
      %dma_wait3A_53 = tpu.memref_slice %arg2[%rem3A_39, %dma_wait3A_52] : memref<4096x1024xf32, #tpu.memory_space<hbm>> -> memref<64x1024xf32, #tpu.memory_space<hbm>>
      tpu.wait_dma2 semaphore(%run_scoped3A : memref<!tpu.dma_semaphore, #tpu.memory_space<semaphore_mem>>) src(%dma_wait3A_53 : memref<64x1024xf32, #tpu.memory_space<hbm>>) dst(%arg6 : memref<64x1024xf32, #tpu.memory_space<vmem>>)
      tpu.yield
    }) : () -> ()
    %dma_start3A_40 = arith.constant 0 : i32
    %dma_start3A_41 = arith.constant 0 : i32
    %dma_start3A_42 = tpu.memref_slice %arg4[%dma_start3A_40, %dma_start3A_41] : memref<10240x1024xf32, #tpu.memory_space<hbm>> -> memref<10240x1024xf32, #tpu.memory_space<hbm>>
    tpu.enqueue_indirect_dma source(%arg6 : memref<64x1024xf32, #tpu.memory_space<vmem>>) target(%dma_start3A_42 : memref<10240x1024xf32, #tpu.memory_space<hbm>>) offsets(%arg5 : memref<64xi32, #tpu.memory_space<vmem>>) semaphore(%arg7 : memref<!tpu.dma_semaphore, #tpu.memory_space<semaphore_mem>>)
    %dma_wait3A_43 = arith.constant 0 : i32
    %dma_wait3A_44 = arith.constant 0 : i32
    %dma_wait3A_45 = tpu.memref_slice %arg4[%dma_wait3A_43, %dma_wait3A_44] : memref<10240x1024xf32, #tpu.memory_space<hbm>> -> memref<10240x1024xf32, #tpu.memory_space<hbm>>
    tpu.wait_indirect_dma semaphore(%arg7 : memref<!tpu.dma_semaphore, #tpu.memory_space<semaphore_mem>>) src(%arg6 : memref<64x1024xf32, #tpu.memory_space<vmem>>) dst(%dma_wait3A_45 : memref<10240x1024xf32, #tpu.memory_space<hbm>>)
    return
  }
}

module attributes {stable_mosaic.version = 14 : i64} {
  func.func @_gemm_body(%arg0: i32, %arg1: memref<64xi32, #tpu.memory_space<smem>>, %arg2: memref<256x1024xf32, #tpu.memory_space<vmem>>, %arg3: memref<1x512x1024xf32, #tpu.memory_space<vmem>>, %arg4: memref<1x512x1024xf32, #tpu.memory_space<vmem>>, %arg5: memref<1x1024x512xf32, #tpu.memory_space<vmem>>, %arg6: memref<256x1024xf32, #tpu.memory_space<vmem>>) attributes {dimension_semantics = [#tpu.dimension_semantics<arbitrary>], iteration_bounds = array<i64: 40>, scalar_prefetch = 1 : i64, scratch_operands = 0 : i64, tpu.core_type = #tpu.core_type<tc>, window_params = [{transform_indices = @transform_0, window_bounds = array<i64: 256, 1024>}, {transform_indices = @transform_1, window_bounds = array<i64: 1, 512, 1024>}, {transform_indices = @transform_2, window_bounds = array<i64: 1, 512, 1024>}, {transform_indices = @transform_3, window_bounds = array<i64: 1, 1024, 512>}, {transform_indices = @transform_4, window_bounds = array<i64: 256, 1024>}]} {
    %get3A = arith.constant 0 : index
    %get3A_0 = arith.constant 0 : index
    %get3A_1 = vector.load %arg2[%get3A, %get3A_0] : memref<256x1024xf32, #tpu.memory_space<vmem>>, vector<256x1024xf32>
    %convert_element_type3A = arith.truncf %get3A_1 : vector<256x1024xf32> to vector<256x1024xbf16>
    %get3A_2 = arith.constant 0 : index
    %get3A_3 = arith.constant 0 : index
    %get3A_4 = arith.constant 0 : index
    %get3A_5 = vector.load %arg3[%get3A_2, %get3A_3, %get3A_4] : memref<1x512x1024xf32, #tpu.memory_space<vmem>>, vector<1x512x1024xf32>
    %get3A_6 = vector.shape_cast %get3A_5 : vector<1x512x1024xf32> to vector<512x1024xf32>
    %convert_element_type3A_7 = arith.truncf %get3A_6 : vector<512x1024xf32> to vector<512x1024xbf16>
    %dot_general3A = arith.constant dense<0.000000e+00> : vector<256x512xf32>
    %dot_general3A_8 = tpu.matmul %convert_element_type3A, %convert_element_type3A_7, %dot_general3A {dimension_numbers = #tpu.dot_dimension_numbers<[1], [1], [0], [0], [0, 0, 1, 0], [], []>, transpose_lhs_hint = false} : vector<256x1024xbf16>, vector<512x1024xbf16>, vector<256x512xf32> -> vector<256x512xf32>
    %get3A_9 = arith.constant 0 : index
    %get3A_10 = arith.constant 0 : index
    %get3A_11 = arith.constant 0 : index
    %get3A_12 = vector.load %arg4[%get3A_9, %get3A_10, %get3A_11] : memref<1x512x1024xf32, #tpu.memory_space<vmem>>, vector<1x512x1024xf32>
    %get3A_13 = vector.shape_cast %get3A_12 : vector<1x512x1024xf32> to vector<512x1024xf32>
    %convert_element_type3A_14 = arith.truncf %get3A_13 : vector<512x1024xf32> to vector<512x1024xbf16>
    %dot_general3A_15 = arith.constant dense<0.000000e+00> : vector<256x512xf32>
    %dot_general3A_16 = tpu.matmul %convert_element_type3A, %convert_element_type3A_14, %dot_general3A_15 {dimension_numbers = #tpu.dot_dimension_numbers<[1], [1], [0], [0], [0, 0, 1, 0], [], []>, transpose_lhs_hint = false} : vector<256x1024xbf16>, vector<512x1024xbf16>, vector<256x512xf32> -> vector<256x512xf32>
    %logistic3A = arith.negf %dot_general3A_8 : vector<256x512xf32>
    %logistic3A_17 = math.exp %logistic3A : vector<256x512xf32>
    %logistic3A_18 = arith.constant 1.000000e+00 : f32
    %logistic3A_19 = vector.broadcast %logistic3A_18 : f32 to vector<256x512xf32>
    %logistic3A_20 = arith.addf %logistic3A_19, %logistic3A_17 : vector<256x512xf32>
    %logistic3A_21 = arith.divf %logistic3A_19, %logistic3A_20 : vector<256x512xf32>
    %mul3A = arith.mulf %dot_general3A_8, %logistic3A_21 : vector<256x512xf32>
    %mul3A_22 = arith.mulf %mul3A, %dot_general3A_16 : vector<256x512xf32>
    %convert_element_type3A_23 = arith.truncf %mul3A_22 : vector<256x512xf32> to vector<256x512xbf16>
    %get3A_24 = arith.constant 0 : index
    %get3A_25 = arith.constant 0 : index
    %get3A_26 = arith.constant 0 : index
    %get3A_27 = vector.load %arg5[%get3A_24, %get3A_25, %get3A_26] : memref<1x1024x512xf32, #tpu.memory_space<vmem>>, vector<1x1024x512xf32>
    %get3A_28 = vector.shape_cast %get3A_27 : vector<1x1024x512xf32> to vector<1024x512xf32>
    %convert_element_type3A_29 = arith.truncf %get3A_28 : vector<1024x512xf32> to vector<1024x512xbf16>
    %dot_general3A_30 = arith.constant dense<0.000000e+00> : vector<256x1024xf32>
    %dot_general3A_31 = tpu.matmul %convert_element_type3A_23, %convert_element_type3A_29, %dot_general3A_30 {dimension_numbers = #tpu.dot_dimension_numbers<[1], [1], [0], [0], [0, 0, 1, 0], [], []>, transpose_lhs_hint = false} : vector<256x512xbf16>, vector<1024x512xbf16>, vector<256x1024xf32> -> vector<256x1024xf32>
    %swap3A = arith.constant 0 : index
    %swap3A_32 = arith.constant 0 : index
    %swap3A_33 = vector.load %arg6[%swap3A, %swap3A_32] : memref<256x1024xf32, #tpu.memory_space<vmem>>, vector<256x1024xf32>
    tpu.vector_store %arg6[%swap3A, %swap3A_32], %dot_general3A_31 {strides = array<i32>} : memref<256x1024xf32, #tpu.memory_space<vmem>>, vector<256x1024xf32>,
    return
  }
  func.func @transform_0(%arg0: i32, %arg1: memref<64xi32, #tpu.memory_space<smem>>) -> (i32, i32) {
    %c0_i32 = arith.constant 0 : i32
    %c0_i32_0 = arith.constant 0 : i32
    return %arg0, %c0_i32 : i32, i32
  }
  func.func @transform_1(%arg0: i32, %arg1: memref<64xi32, #tpu.memory_space<smem>>) -> (i32, i32, i32) {
    %get3A = arith.index_cast %arg0 : i32 to index
    %get3A_0 = memref.load %arg1[%get3A] : memref<64xi32, #tpu.memory_space<smem>>
    %c0_i32 = arith.constant 0 : i32
    %c0_i32_1 = arith.constant 0 : i32
    %c0_i32_2 = arith.constant 0 : i32
    return %get3A_0, %c0_i32, %c0_i32_1 : i32, i32, i32
  }
  func.func @transform_2(%arg0: i32, %arg1: memref<64xi32, #tpu.memory_space<smem>>) -> (i32, i32, i32) {
    %get3A = arith.index_cast %arg0 : i32 to index
    %get3A_0 = memref.load %arg1[%get3A] : memref<64xi32, #tpu.memory_space<smem>>
    %c0_i32 = arith.constant 0 : i32
    %c0_i32_1 = arith.constant 0 : i32
    %c0_i32_2 = arith.constant 0 : i32
    return %get3A_0, %c0_i32, %c0_i32_1 : i32, i32, i32
  }
  func.func @transform_3(%arg0: i32, %arg1: memref<64xi32, #tpu.memory_space<smem>>) -> (i32, i32, i32) {
    %get3A = arith.index_cast %arg0 : i32 to index
    %get3A_0 = memref.load %arg1[%get3A] : memref<64xi32, #tpu.memory_space<smem>>
    %c0_i32 = arith.constant 0 : i32
    %c0_i32_1 = arith.constant 0 : i32
    %c0_i32_2 = arith.constant 0 : i32
    return %get3A_0, %c0_i32, %c0_i32_1 : i32, i32, i32
  }
  func.func @transform_4(%arg0: i32, %arg1: memref<64xi32, #tpu.memory_space<smem>>) -> (i32, i32) {
    %c0_i32 = arith.constant 0 : i32
    %c0_i32_0 = arith.constant 0 : i32
    return %arg0, %c0_i32 : i32, i32
  }
}

module attributes {stable_mosaic.version = 14 : i64} {
  func.func @_shared_body(%arg0: i32, %arg1: memref<1024x1024xf32, #tpu.memory_space<vmem>>, %arg2: memref<512x1024xf32, #tpu.memory_space<vmem>>, %arg3: memref<512x1024xf32, #tpu.memory_space<vmem>>, %arg4: memref<1024x512xf32, #tpu.memory_space<vmem>>, %arg5: memref<1024x1024xbf16, #tpu.memory_space<vmem>>) attributes {dimension_semantics = [#tpu.dimension_semantics<arbitrary>], iteration_bounds = array<i64: 4>, scalar_prefetch = 0 : i64, scratch_operands = 0 : i64, tpu.core_type = #tpu.core_type<tc>, window_params = [{transform_indices = @transform_0, window_bounds = array<i64: 1024, 1024>}, {pipeline_mode = #tpu.pipeline_mode<synchronous>, transform_indices = @transform_1, window_bounds = array<i64: 512, 1024>}, {pipeline_mode = #tpu.pipeline_mode<synchronous>, transform_indices = @transform_2, window_bounds = array<i64: 512, 1024>}, {pipeline_mode = #tpu.pipeline_mode<synchronous>, transform_indices = @transform_3, window_bounds = array<i64: 1024, 512>}, {transform_indices = @transform_4, window_bounds = array<i64: 1024, 1024>}]} {
    %get3A = arith.constant 0 : index
    %get3A_0 = arith.constant 0 : index
    %get3A_1 = vector.load %arg1[%get3A, %get3A_0] : memref<1024x1024xf32, #tpu.memory_space<vmem>>, vector<1024x1024xf32>
    %convert_element_type3A = arith.truncf %get3A_1 : vector<1024x1024xf32> to vector<1024x1024xbf16>
    %get3A_2 = arith.constant 0 : index
    %get3A_3 = arith.constant 0 : index
    %get3A_4 = vector.load %arg2[%get3A_2, %get3A_3] : memref<512x1024xf32, #tpu.memory_space<vmem>>, vector<512x1024xf32>
    %convert_element_type3A_5 = arith.truncf %get3A_4 : vector<512x1024xf32> to vector<512x1024xbf16>
    %dot_general3A = arith.constant dense<0.000000e+00> : vector<1024x512xf32>
    %dot_general3A_6 = tpu.matmul %convert_element_type3A, %convert_element_type3A_5, %dot_general3A {dimension_numbers = #tpu.dot_dimension_numbers<[1], [1], [0], [0], [0, 0, 1, 0], [], []>, transpose_lhs_hint = false} : vector<1024x1024xbf16>, vector<512x1024xbf16>, vector<1024x512xf32> -> vector<1024x512xf32>
    %get3A_7 = arith.constant 0 : index
    %get3A_8 = arith.constant 0 : index
    %get3A_9 = vector.load %arg3[%get3A_7, %get3A_8] : memref<512x1024xf32, #tpu.memory_space<vmem>>, vector<512x1024xf32>
    %convert_element_type3A_10 = arith.truncf %get3A_9 : vector<512x1024xf32> to vector<512x1024xbf16>
    %dot_general3A_11 = arith.constant dense<0.000000e+00> : vector<1024x512xf32>
    %dot_general3A_12 = tpu.matmul %convert_element_type3A, %convert_element_type3A_10, %dot_general3A_11 {dimension_numbers = #tpu.dot_dimension_numbers<[1], [1], [0], [0], [0, 0, 1, 0], [], []>, transpose_lhs_hint = false} : vector<1024x1024xbf16>, vector<512x1024xbf16>, vector<1024x512xf32> -> vector<1024x512xf32>
    %logistic3A = arith.negf %dot_general3A_6 : vector<1024x512xf32>
    %logistic3A_13 = math.exp %logistic3A : vector<1024x512xf32>
    %logistic3A_14 = arith.constant 1.000000e+00 : f32
    %logistic3A_15 = vector.broadcast %logistic3A_14 : f32 to vector<1024x512xf32>
    %logistic3A_16 = arith.addf %logistic3A_15, %logistic3A_13 : vector<1024x512xf32>
    %logistic3A_17 = arith.divf %logistic3A_15, %logistic3A_16 : vector<1024x512xf32>
    %mul3A = arith.mulf %dot_general3A_6, %logistic3A_17 : vector<1024x512xf32>
    %mul3A_18 = arith.mulf %mul3A, %dot_general3A_12 : vector<1024x512xf32>
    %convert_element_type3A_19 = arith.truncf %mul3A_18 : vector<1024x512xf32> to vector<1024x512xbf16>
    %get3A_20 = arith.constant 0 : index
    %get3A_21 = arith.constant 0 : index
    %get3A_22 = vector.load %arg4[%get3A_20, %get3A_21] : memref<1024x512xf32, #tpu.memory_space<vmem>>, vector<1024x512xf32>
    %convert_element_type3A_23 = arith.truncf %get3A_22 : vector<1024x512xf32> to vector<1024x512xbf16>
    %dot_general3A_24 = arith.constant dense<0.000000e+00> : vector<1024x1024xf32>
    %dot_general3A_25 = tpu.matmul %convert_element_type3A_19, %convert_element_type3A_23, %dot_general3A_24 {dimension_numbers = #tpu.dot_dimension_numbers<[1], [1], [0], [0], [0, 0, 1, 0], [], []>, transpose_lhs_hint = false} : vector<1024x512xbf16>, vector<1024x512xbf16>, vector<1024x1024xf32> -> vector<1024x1024xf32>
    %convert_element_type3A_26 = arith.truncf %dot_general3A_25 : vector<1024x1024xf32> to vector<1024x1024xbf16>
    %swap3A = arith.constant 0 : index
    %swap3A_27 = arith.constant 0 : index
    %swap3A_28 = vector.load %arg5[%swap3A, %swap3A_27] : memref<1024x1024xbf16, #tpu.memory_space<vmem>>, vector<1024x1024xbf16>
    tpu.vector_store %arg5[%swap3A, %swap3A_27], %convert_element_type3A_26 {strides = array<i32>} : memref<1024x1024xbf16, #tpu.memory_space<vmem>>, vector<1024x1024xbf16>,
    return
  }
  func.func @transform_0(%arg0: i32) -> (i32, i32) {
    %c0_i32 = arith.constant 0 : i32
    %c0_i32_0 = arith.constant 0 : i32
    return %arg0, %c0_i32 : i32, i32
  }
  func.func @transform_1(%arg0: i32) -> (i32, i32) {
    %c0_i32 = arith.constant 0 : i32
    %c0_i32_0 = arith.constant 0 : i32
    %c0_i32_1 = arith.constant 0 : i32
    return %c0_i32, %c0_i32_0 : i32, i32
  }
  func.func @transform_2(%arg0: i32) -> (i32, i32) {
    %c0_i32 = arith.constant 0 : i32
    %c0_i32_0 = arith.constant 0 : i32
    %c0_i32_1 = arith.constant 0 : i32
    return %c0_i32, %c0_i32_0 : i32, i32
  }
  func.func @transform_3(%arg0: i32) -> (i32, i32) {
    %c0_i32 = arith.constant 0 : i32
    %c0_i32_0 = arith.constant 0 : i32
    %c0_i32_1 = arith.constant 0 : i32
    return %c0_i32, %c0_i32_0 : i32, i32
  }
  func.func @transform_4(%arg0: i32) -> (i32, i32) {
    %c0_i32 = arith.constant 0 : i32
    %c0_i32_0 = arith.constant 0 : i32
    return %arg0, %c0_i32 : i32, i32
  }
}

module attributes {stable_mosaic.version = 14 : i64} {
  func.func @_route_body(%arg0: i32, %arg1: memref<4096x1024xf32, #tpu.memory_space<vmem>>, %arg2: memref<8x1024xf32, #tpu.memory_space<vmem>>, %arg3: memref<1x8xf32, #tpu.memory_space<vmem>>, %arg4: memref<4096x8xf32, #tpu.memory_space<vmem>>, %arg5: memref<1x64xi32, #tpu.memory_space<vmem>>) attributes {dimension_semantics = [#tpu.dimension_semantics<arbitrary>], iteration_bounds = array<i64: 1>, scalar_prefetch = 0 : i64, scratch_operands = 0 : i64, tpu.core_type = #tpu.core_type<tc>, window_params = [{pipeline_mode = #tpu.pipeline_mode<synchronous>, transform_indices = @transform_0, window_bounds = array<i64: 4096, 1024>}, {pipeline_mode = #tpu.pipeline_mode<synchronous>, transform_indices = @transform_1, window_bounds = array<i64: 8, 1024>}, {pipeline_mode = #tpu.pipeline_mode<synchronous>, transform_indices = @transform_2, window_bounds = array<i64: 1, 8>}, {pipeline_mode = #tpu.pipeline_mode<synchronous>, transform_indices = @transform_3, window_bounds = array<i64: 4096, 8>}, {pipeline_mode = #tpu.pipeline_mode<synchronous>, transform_indices = @transform_4, window_bounds = array<i64: 1, 64>}]} {
    %get3A = arith.constant 0 : index
    %get3A_0 = arith.constant 0 : index
    %get3A_1 = vector.load %arg1[%get3A, %get3A_0] : memref<4096x1024xf32, #tpu.memory_space<vmem>>, vector<4096x1024xf32>
    %convert_element_type3A = arith.truncf %get3A_1 : vector<4096x1024xf32> to vector<4096x1024xbf16>
    %get3A_2 = arith.constant 0 : index
    %get3A_3 = arith.constant 0 : index
    %get3A_4 = vector.load %arg2[%get3A_2, %get3A_3] : memref<8x1024xf32, #tpu.memory_space<vmem>>, vector<8x1024xf32>
    %convert_element_type3A_5 = arith.truncf %get3A_4 : vector<8x1024xf32> to vector<8x1024xbf16>
    %dot_general3A = arith.constant dense<0.000000e+00> : vector<4096x8xf32>
    %dot_general3A_6 = tpu.matmul %convert_element_type3A, %convert_element_type3A_5, %dot_general3A {dimension_numbers = #tpu.dot_dimension_numbers<[1], [1], [0], [0], [0, 0, 1, 0], [], []>, transpose_lhs_hint = false} : vector<4096x1024xbf16>, vector<8x1024xbf16>, vector<4096x8xf32> -> vector<4096x8xf32>
    %get3A_7 = arith.constant 0 : index
    %get3A_8 = arith.constant 0 : index
    %get3A_9 = vector.load %arg3[%get3A_7, %get3A_8] : memref<1x8xf32, #tpu.memory_space<vmem>>, vector<1x8xf32>
    %add3A = vector.broadcast %get3A_9 : vector<1x8xf32> to vector<4096x8xf32>
    %add3A_10 = arith.addf %dot_general3A_6, %add3A : vector<4096x8xf32>
    %iota3A = tpu.iota {dimensions = array<i32: 1>} : vector<4096x8xi32>
    %reduce_max3A = arith.constant dense<0xFF800000> : vector<4096xf32>
    %reduce_max3A_11 = vector.multi_reduction <maximumf>, %add3A_10, %reduce_max3A [1] : vector<4096x8xf32> to vector<4096xf32>
    %broadcast_in_dim3A = vector.shape_cast %reduce_max3A_11 : vector<4096xf32> to vector<4096x1xf32>
    %eq3A = vector.broadcast %broadcast_in_dim3A : vector<4096x1xf32> to vector<4096x8xf32>
    %eq3A_12 = arith.cmpf oeq, %add3A_10, %eq3A : vector<4096x8xf32>
    %jit3A = arith.constant 8 : i32
    %broadcast_in_dim3A_13 = vector.broadcast %jit3A : i32 to vector<4096x8xi32>
    %select_n3A = arith.select %eq3A_12, %iota3A, %broadcast_in_dim3A_13 : vector<4096x8xi1>, vector<4096x8xi32>
    %reduce_min3A = arith.constant dense<2147483647> : vector<4096xi32>
    %reduce_min3A_14 = vector.multi_reduction <minsi>, %select_n3A, %reduce_min3A [1] : vector<4096x8xi32> to vector<4096xi32>
    %broadcast_in_dim3A_15 = vector.shape_cast %reduce_min3A_14 : vector<4096xi32> to vector<4096x1xi32>
    %eq3A_16 = vector.broadcast %broadcast_in_dim3A_15 : vector<4096x1xi32> to vector<4096x8xi32>
    %eq3A_17 = arith.cmpi eq, %iota3A, %eq3A_16 : vector<4096x8xi32>
    %jit3A_18 = arith.constant 0xFF800000 : f32
    %broadcast_in_dim3A_19 = vector.broadcast %jit3A_18 : f32 to vector<4096x8xf32>
    %select_n3A_20 = arith.select %eq3A_17, %broadcast_in_dim3A_19, %add3A_10 : vector<4096x8xi1>, vector<4096x8xf32>
    %reduce_max3A_21 = arith.constant dense<0xFF800000> : vector<4096xf32>
    %reduce_max3A_22 = vector.multi_reduction <maximumf>, %select_n3A_20, %reduce_max3A_21 [1] : vector<4096x8xf32> to vector<4096xf32>
    %broadcast_in_dim3A_23 = vector.shape_cast %reduce_max3A_22 : vector<4096xf32> to vector<4096x1xf32>
    %eq3A_24 = vector.broadcast %broadcast_in_dim3A_23 : vector<4096x1xf32> to vector<4096x8xf32>
    %eq3A_25 = arith.cmpf oeq, %select_n3A_20, %eq3A_24 : vector<4096x8xf32>
    %jit3A_26 = arith.constant 8 : i32
    %broadcast_in_dim3A_27 = vector.broadcast %jit3A_26 : i32 to vector<4096x8xi32>
    %select_n3A_28 = arith.select %eq3A_25, %iota3A, %broadcast_in_dim3A_27 : vector<4096x8xi1>, vector<4096x8xi32>
    %reduce_min3A_29 = arith.constant dense<2147483647> : vector<4096xi32>
    %reduce_min3A_30 = vector.multi_reduction <minsi>, %select_n3A_28, %reduce_min3A_29 [1] : vector<4096x8xi32> to vector<4096xi32>
    %broadcast_in_dim3A_31 = vector.shape_cast %reduce_min3A_30 : vector<4096xi32> to vector<4096x1xi32>
    %eq3A_32 = vector.broadcast %broadcast_in_dim3A_31 : vector<4096x1xi32> to vector<4096x8xi32>
    %eq3A_33 = arith.cmpi eq, %iota3A, %eq3A_32 : vector<4096x8xi32>
    %sub3A = arith.subf %broadcast_in_dim3A_23, %broadcast_in_dim3A : vector<4096x1xf32>
    %exp3A = math.exp %sub3A : vector<4096x1xf32>
    %add3A_34 = arith.constant 1.000000e+00 : f32
    %add3A_35 = vector.broadcast %add3A_34 : f32 to vector<4096x1xf32>
    %add3A_36 = arith.addf %add3A_35, %exp3A : vector<4096x1xf32>
    %div3A = arith.constant 1.000000e+00 : f32
    %div3A_37 = vector.broadcast %div3A : f32 to vector<4096x1xf32>
    %div3A_38 = arith.divf %div3A_37, %add3A_36 : vector<4096x1xf32>
    %add3A_39 = arith.constant 1.000000e+00 : f32
    %add3A_40 = vector.broadcast %add3A_39 : f32 to vector<4096x1xf32>
    %add3A_41 = arith.addf %add3A_40, %exp3A : vector<4096x1xf32>
    %div3A_42 = arith.divf %exp3A, %add3A_41 : vector<4096x1xf32>
    %or3A = arith.ori %eq3A_17, %eq3A_33 : vector<4096x8xi1>
    %convert_element_type3A_43 = arith.extui %or3A : vector<4096x8xi1> to vector<4096x8xi32>
    %convert_element_type3A_44 = arith.sitofp %convert_element_type3A_43 : vector<4096x8xi32> to vector<4096x8xf32>
    %broadcast_in_dim3A_45 = arith.constant 0.000000e+00 : f32
    %broadcast_in_dim3A_46 = vector.broadcast %broadcast_in_dim3A_45 : f32 to vector<1x8xf32>
    %slice3A = vector.extract_strided_slice %convert_element_type3A_44 {offsets = [0, 0], sizes = [4095, 8], strides = [1, 1]} : vector<4096x8xf32> to vector<4095x8xf32>
    %concatenate3A = tpu.concatenate %broadcast_in_dim3A_46, %slice3A in 0 : vector<1x8xf32>, vector<4095x8xf32> -> vector<4096x8xf32>
    %add3A_47 = arith.addf %convert_element_type3A_44, %concatenate3A : vector<4096x8xf32>
    %broadcast_in_dim3A_48 = arith.constant 0.000000e+00 : f32
    %broadcast_in_dim3A_49 = vector.broadcast %broadcast_in_dim3A_48 : f32 to vector<2x8xf32>
    %slice3A_50 = vector.extract_strided_slice %add3A_47 {offsets = [0, 0], sizes = [4094, 8], strides = [1, 1]} : vector<4096x8xf32> to vector<4094x8xf32>
    %concatenate3A_51 = tpu.concatenate %broadcast_in_dim3A_49, %slice3A_50 in 0 : vector<2x8xf32>, vector<4094x8xf32> -> vector<4096x8xf32>
    %add3A_52 = arith.addf %add3A_47, %concatenate3A_51 : vector<4096x8xf32>
    %broadcast_in_dim3A_53 = arith.constant 0.000000e+00 : f32
    %broadcast_in_dim3A_54 = vector.broadcast %broadcast_in_dim3A_53 : f32 to vector<4x8xf32>
    %slice3A_55 = vector.extract_strided_slice %add3A_52 {offsets = [0, 0], sizes = [4092, 8], strides = [1, 1]} : vector<4096x8xf32> to vector<4092x8xf32>
    %concatenate3A_56 = tpu.concatenate %broadcast_in_dim3A_54, %slice3A_55 in 0 : vector<4x8xf32>, vector<4092x8xf32> -> vector<4096x8xf32>
    %add3A_57 = arith.addf %add3A_52, %concatenate3A_56 : vector<4096x8xf32>
    %broadcast_in_dim3A_58 = arith.constant 0.000000e+00 : f32
    %broadcast_in_dim3A_59 = vector.broadcast %broadcast_in_dim3A_58 : f32 to vector<8x8xf32>
    %slice3A_60 = vector.extract_strided_slice %add3A_57 {offsets = [0, 0], sizes = [4088, 8], strides = [1, 1]} : vector<4096x8xf32> to vector<4088x8xf32>
    %concatenate3A_61 = tpu.concatenate %broadcast_in_dim3A_59, %slice3A_60 in 0 : vector<8x8xf32>, vector<4088x8xf32> -> vector<4096x8xf32>
    %add3A_62 = arith.addf %add3A_57, %concatenate3A_61 : vector<4096x8xf32>
    %broadcast_in_dim3A_63 = arith.constant 0.000000e+00 : f32
    %broadcast_in_dim3A_64 = vector.broadcast %broadcast_in_dim3A_63 : f32 to vector<16x8xf32>
    %slice3A_65 = vector.extract_strided_slice %add3A_62 {offsets = [0, 0], sizes = [4080, 8], strides = [1, 1]} : vector<4096x8xf32> to vector<4080x8xf32>
    %concatenate3A_66 = tpu.concatenate %broadcast_in_dim3A_64, %slice3A_65 in 0 : vector<16x8xf32>, vector<4080x8xf32> -> vector<4096x8xf32>
    %add3A_67 = arith.addf %add3A_62, %concatenate3A_66 : vector<4096x8xf32>
    %broadcast_in_dim3A_68 = arith.constant 0.000000e+00 : f32
    %broadcast_in_dim3A_69 = vector.broadcast %broadcast_in_dim3A_68 : f32 to vector<32x8xf32>
    %slice3A_70 = vector.extract_strided_slice %add3A_67 {offsets = [0, 0], sizes = [4064, 8], strides = [1, 1]} : vector<4096x8xf32> to vector<4064x8xf32>
    %concatenate3A_71 = tpu.concatenate %broadcast_in_dim3A_69, %slice3A_70 in 0 : vector<32x8xf32>, vector<4064x8xf32> -> vector<4096x8xf32>
    %add3A_72 = arith.addf %add3A_67, %concatenate3A_71 : vector<4096x8xf32>
    %broadcast_in_dim3A_73 = arith.constant 0.000000e+00 : f32
    %broadcast_in_dim3A_74 = vector.broadcast %broadcast_in_dim3A_73 : f32 to vector<64x8xf32>
    %slice3A_75 = vector.extract_strided_slice %add3A_72 {offsets = [0, 0], sizes = [4032, 8], strides = [1, 1]} : vector<4096x8xf32> to vector<4032x8xf32>
    %concatenate3A_76 = tpu.concatenate %broadcast_in_dim3A_74, %slice3A_75 in 0 : vector<64x8xf32>, vector<4032x8xf32> -> vector<4096x8xf32>
    %add3A_77 = arith.addf %add3A_72, %concatenate3A_76 : vector<4096x8xf32>
    %broadcast_in_dim3A_78 = arith.constant 0.000000e+00 : f32
    %broadcast_in_dim3A_79 = vector.broadcast %broadcast_in_dim3A_78 : f32 to vector<128x8xf32>
    %slice3A_80 = vector.extract_strided_slice %add3A_77 {offsets = [0, 0], sizes = [3968, 8], strides = [1, 1]} : vector<4096x8xf32> to vector<3968x8xf32>
    %concatenate3A_81 = tpu.concatenate %broadcast_in_dim3A_79, %slice3A_80 in 0 : vector<128x8xf32>, vector<3968x8xf32> -> vector<4096x8xf32>
    %add3A_82 = arith.addf %add3A_77, %concatenate3A_81 : vector<4096x8xf32>
    %broadcast_in_dim3A_83 = arith.constant 0.000000e+00 : f32
    %broadcast_in_dim3A_84 = vector.broadcast %broadcast_in_dim3A_83 : f32 to vector<256x8xf32>
    %slice3A_85 = vector.extract_strided_slice %add3A_82 {offsets = [0, 0], sizes = [3840, 8], strides = [1, 1]} : vector<4096x8xf32> to vector<3840x8xf32>
    %concatenate3A_86 = tpu.concatenate %broadcast_in_dim3A_84, %slice3A_85 in 0 : vector<256x8xf32>, vector<3840x8xf32> -> vector<4096x8xf32>
    %add3A_87 = arith.addf %add3A_82, %concatenate3A_86 : vector<4096x8xf32>
    %broadcast_in_dim3A_88 = arith.constant 0.000000e+00 : f32
    %broadcast_in_dim3A_89 = vector.broadcast %broadcast_in_dim3A_88 : f32 to vector<512x8xf32>
    %slice3A_90 = vector.extract_strided_slice %add3A_87 {offsets = [0, 0], sizes = [3584, 8], strides = [1, 1]} : vector<4096x8xf32> to vector<3584x8xf32>
    %concatenate3A_91 = tpu.concatenate %broadcast_in_dim3A_89, %slice3A_90 in 0 : vector<512x8xf32>, vector<3584x8xf32> -> vector<4096x8xf32>
    %add3A_92 = arith.addf %add3A_87, %concatenate3A_91 : vector<4096x8xf32>
    %broadcast_in_dim3A_93 = arith.constant 0.000000e+00 : f32
    %broadcast_in_dim3A_94 = vector.broadcast %broadcast_in_dim3A_93 : f32 to vector<1024x8xf32>
    %slice3A_95 = vector.extract_strided_slice %add3A_92 {offsets = [0, 0], sizes = [3072, 8], strides = [1, 1]} : vector<4096x8xf32> to vector<3072x8xf32>
    %concatenate3A_96 = tpu.concatenate %broadcast_in_dim3A_94, %slice3A_95 in 0 : vector<1024x8xf32>, vector<3072x8xf32> -> vector<4096x8xf32>
    %add3A_97 = arith.addf %add3A_92, %concatenate3A_96 : vector<4096x8xf32>
    %broadcast_in_dim3A_98 = arith.constant 0.000000e+00 : f32
    %broadcast_in_dim3A_99 = vector.broadcast %broadcast_in_dim3A_98 : f32 to vector<2048x8xf32>
    %slice3A_100 = vector.extract_strided_slice %add3A_97 {offsets = [0, 0], sizes = [2048, 8], strides = [1, 1]} : vector<4096x8xf32> to vector<2048x8xf32>
    %concatenate3A_101 = tpu.concatenate %broadcast_in_dim3A_99, %slice3A_100 in 0 : vector<2048x8xf32>, vector<2048x8xf32> -> vector<4096x8xf32>
    %add3A_102 = arith.addf %add3A_97, %concatenate3A_101 : vector<4096x8xf32>
    %sub3A_103 = arith.subf %add3A_102, %convert_element_type3A_44 : vector<4096x8xf32>
    %slice3A_104 = vector.extract_strided_slice %add3A_102 {offsets = [4095, 0], sizes = [1, 8], strides = [1, 1]} : vector<4096x8xf32> to vector<1x8xf32>
    %add3A_105 = arith.constant 2.550000e+02 : f32
    %add3A_106 = vector.broadcast %add3A_105 : f32 to vector<1x8xf32>
    %add3A_107 = arith.addf %slice3A_104, %add3A_106 : vector<1x8xf32>
    %mul3A = arith.constant 3.906250e-03 : f32
    %mul3A_108 = vector.broadcast %mul3A : f32 to vector<1x8xf32>
    %mul3A_109 = arith.mulf %add3A_107, %mul3A_108 : vector<1x8xf32>
    %floor3A = math.floor %mul3A_109 : vector<1x8xf32>
    %mul3A_110 = arith.constant 2.560000e+02 : f32
    %mul3A_111 = vector.broadcast %mul3A_110 : f32 to vector<1x8xf32>
    %mul3A_112 = arith.mulf %floor3A, %mul3A_111 : vector<1x8xf32>
    %iota3A_113 = tpu.iota {dimensions = array<i32: 0>} : vector<8x8xi32>
    %iota3A_114 = tpu.iota {dimensions = array<i32: 1>} : vector<8x8xi32>
    %lt3A = arith.cmpi slt, %iota3A_113, %iota3A_114 : vector<8x8xi32>
    %convert_element_type3A_115 = arith.extui %lt3A : vector<8x8xi1> to vector<8x8xi32>
    %convert_element_type3A_116 = arith.sitofp %convert_element_type3A_115 : vector<8x8xi32> to vector<8x8xf32>
    %dot_general3A_117 = arith.constant dense<0.000000e+00> : vector<1x8xf32>
    %dot_general3A_118 = tpu.matmul %mul3A_112, %convert_element_type3A_116, %dot_general3A_117 {dimension_numbers = #tpu.dot_dimension_numbers<[1], [0], [0], [1], [0, 0, 1, 1], [], []>, transpose_lhs_hint = false} : vector<1x8xf32>, vector<8x8xf32>, vector<1x8xf32> -> vector<1x8xf32>
    %jit3A_119 = arith.constant 0.000000e+00 : f32
    %broadcast_in_dim3A_120 = vector.shape_cast %dot_general3A_118 : vector<1x8xf32> to vector<1x8xf32>
    %broadcast_in_dim3A_121 = vector.broadcast %broadcast_in_dim3A_120 : vector<1x8xf32> to vector<4096x8xf32>
    %broadcast_in_dim3A_122 = vector.broadcast %jit3A_119 : f32 to vector<4096x8xf32>
    %select_n3A_123 = arith.select %eq3A_17, %broadcast_in_dim3A_121, %broadcast_in_dim3A_122 : vector<4096x8xi1>, vector<4096x8xf32>
    %reduce_sum3A = arith.constant dense<0.000000e+00> : vector<4096xf32>
    %reduce_sum3A_124 = vector.multi_reduction <add>, %select_n3A_123, %reduce_sum3A [1] : vector<4096x8xf32> to vector<4096xf32>
    %broadcast_in_dim3A_125 = vector.shape_cast %reduce_sum3A_124 : vector<4096xf32> to vector<4096x1xf32>
    %jit3A_126 = arith.constant 0.000000e+00 : f32
    %broadcast_in_dim3A_127 = vector.shape_cast %dot_general3A_118 : vector<1x8xf32> to vector<1x8xf32>
    %broadcast_in_dim3A_128 = vector.broadcast %broadcast_in_dim3A_127 : vector<1x8xf32> to vector<4096x8xf32>
    %broadcast_in_dim3A_129 = vector.broadcast %jit3A_126 : f32 to vector<4096x8xf32>
    %select_n3A_130 = arith.select %eq3A_33, %broadcast_in_dim3A_128, %broadcast_in_dim3A_129 : vector<4096x8xi1>, vector<4096x8xf32>
    %reduce_sum3A_131 = arith.constant dense<0.000000e+00> : vector<4096xf32>
    %reduce_sum3A_132 = vector.multi_reduction <add>, %select_n3A_130, %reduce_sum3A_131 [1] : vector<4096x8xf32> to vector<4096xf32>
    %broadcast_in_dim3A_133 = vector.shape_cast %reduce_sum3A_132 : vector<4096xf32> to vector<4096x1xf32>
    %jit3A_134 = arith.constant 0.000000e+00 : f32
    %broadcast_in_dim3A_135 = vector.broadcast %jit3A_134 : f32 to vector<4096x8xf32>
    %select_n3A_136 = arith.select %eq3A_17, %sub3A_103, %broadcast_in_dim3A_135 : vector<4096x8xi1>, vector<4096x8xf32>
    %reduce_sum3A_137 = arith.constant dense<0.000000e+00> : vector<4096xf32>
    %reduce_sum3A_138 = vector.multi_reduction <add>, %select_n3A_136, %reduce_sum3A_137 [1] : vector<4096x8xf32> to vector<4096xf32>
    %broadcast_in_dim3A_139 = vector.shape_cast %reduce_sum3A_138 : vector<4096xf32> to vector<4096x1xf32>
    %jit3A_140 = arith.constant 0.000000e+00 : f32
    %broadcast_in_dim3A_141 = vector.broadcast %jit3A_140 : f32 to vector<4096x8xf32>
    %select_n3A_142 = arith.select %eq3A_33, %sub3A_103, %broadcast_in_dim3A_141 : vector<4096x8xi1>, vector<4096x8xf32>
    %reduce_sum3A_143 = arith.constant dense<0.000000e+00> : vector<4096xf32>
    %reduce_sum3A_144 = vector.multi_reduction <add>, %select_n3A_142, %reduce_sum3A_143 [1] : vector<4096x8xf32> to vector<4096xf32>
    %broadcast_in_dim3A_145 = vector.shape_cast %reduce_sum3A_144 : vector<4096xf32> to vector<4096x1xf32>
    %add3A_146 = arith.addf %broadcast_in_dim3A_125, %broadcast_in_dim3A_139 : vector<4096x1xf32>
    %add3A_147 = arith.addf %broadcast_in_dim3A_133, %broadcast_in_dim3A_145 : vector<4096x1xf32>
    %iota3A_148 = tpu.iota {dimensions = array<i32: 1>} : vector<4096x8xi32>
    %eq3A_149 = arith.constant 0 : i32
    %eq3A_150 = vector.broadcast %eq3A_149 : i32 to vector<4096x8xi32>
    %eq3A_151 = arith.cmpi eq, %iota3A_148, %eq3A_150 : vector<4096x8xi32>
    %jit3A_152 = arith.constant 0.000000e+00 : f32
    %broadcast_in_dim3A_153 = vector.shape_cast %add3A_146 : vector<4096x1xf32> to vector<4096x1xf32>
    %broadcast_in_dim3A_154 = vector.broadcast %broadcast_in_dim3A_153 : vector<4096x1xf32> to vector<4096x8xf32>
    %broadcast_in_dim3A_155 = vector.broadcast %jit3A_152 : f32 to vector<4096x8xf32>
    %select_n3A_156 = arith.select %eq3A_151, %broadcast_in_dim3A_154, %broadcast_in_dim3A_155 : vector<4096x8xi1>, vector<4096x8xf32>
    %eq3A_157 = arith.constant 1 : i32
    %eq3A_158 = vector.broadcast %eq3A_157 : i32 to vector<4096x8xi32>
    %eq3A_159 = arith.cmpi eq, %iota3A_148, %eq3A_158 : vector<4096x8xi32>
    %jit3A_160 = arith.constant 0.000000e+00 : f32
    %broadcast_in_dim3A_161 = vector.shape_cast %add3A_147 : vector<4096x1xf32> to vector<4096x1xf32>
    %broadcast_in_dim3A_162 = vector.broadcast %broadcast_in_dim3A_161 : vector<4096x1xf32> to vector<4096x8xf32>
    %broadcast_in_dim3A_163 = vector.broadcast %jit3A_160 : f32 to vector<4096x8xf32>
    %select_n3A_164 = arith.select %eq3A_159, %broadcast_in_dim3A_162, %broadcast_in_dim3A_163 : vector<4096x8xi1>, vector<4096x8xf32>
    %add3A_165 = arith.addf %select_n3A_156, %select_n3A_164 : vector<4096x8xf32>
    %eq3A_166 = arith.constant 2 : i32
    %eq3A_167 = vector.broadcast %eq3A_166 : i32 to vector<4096x8xi32>
    %eq3A_168 = arith.cmpi eq, %iota3A_148, %eq3A_167 : vector<4096x8xi32>
    %jit3A_169 = arith.constant 0.000000e+00 : f32
    %broadcast_in_dim3A_170 = vector.shape_cast %div3A_38 : vector<4096x1xf32> to vector<4096x1xf32>
    %broadcast_in_dim3A_171 = vector.broadcast %broadcast_in_dim3A_170 : vector<4096x1xf32> to vector<4096x8xf32>
    %broadcast_in_dim3A_172 = vector.broadcast %jit3A_169 : f32 to vector<4096x8xf32>
    %select_n3A_173 = arith.select %eq3A_168, %broadcast_in_dim3A_171, %broadcast_in_dim3A_172 : vector<4096x8xi1>, vector<4096x8xf32>
    %add3A_174 = arith.addf %add3A_165, %select_n3A_173 : vector<4096x8xf32>
    %eq3A_175 = arith.constant 3 : i32
    %eq3A_176 = vector.broadcast %eq3A_175 : i32 to vector<4096x8xi32>
    %eq3A_177 = arith.cmpi eq, %iota3A_148, %eq3A_176 : vector<4096x8xi32>
    %jit3A_178 = arith.constant 0.000000e+00 : f32
    %broadcast_in_dim3A_179 = vector.shape_cast %div3A_42 : vector<4096x1xf32> to vector<4096x1xf32>
    %broadcast_in_dim3A_180 = vector.broadcast %broadcast_in_dim3A_179 : vector<4096x1xf32> to vector<4096x8xf32>
    %broadcast_in_dim3A_181 = vector.broadcast %jit3A_178 : f32 to vector<4096x8xf32>
    %select_n3A_182 = arith.select %eq3A_177, %broadcast_in_dim3A_180, %broadcast_in_dim3A_181 : vector<4096x8xi1>, vector<4096x8xf32>
    %add3A_183 = arith.addf %add3A_174, %select_n3A_182 : vector<4096x8xf32>
    %swap3A = arith.constant 0 : index
    %swap3A_184 = arith.constant 0 : index
    %swap3A_185 = vector.load %arg4[%swap3A, %swap3A_184] : memref<4096x8xf32, #tpu.memory_space<vmem>>, vector<4096x8xf32>
    tpu.vector_store %arg4[%swap3A, %swap3A_184], %add3A_183 {strides = array<i32>} : memref<4096x8xf32, #tpu.memory_space<vmem>>, vector<4096x8xf32>,
    %eq3A_186 = arith.cmpi eq, %iota3A_113, %iota3A_114 : vector<8x8xi32>
    %convert_element_type3A_187 = arith.extui %eq3A_186 : vector<8x8xi1> to vector<8x8xi32>
    %convert_element_type3A_188 = arith.sitofp %convert_element_type3A_187 : vector<8x8xi32> to vector<8x8xf32>
    %mul3A_189 = arith.constant 3.906250e-03 : f32
    %mul3A_190 = vector.broadcast %mul3A_189 : f32 to vector<1x8xf32>
    %mul3A_191 = arith.mulf %dot_general3A_118, %mul3A_190 : vector<1x8xf32>
    %dot_general3A_192 = arith.constant dense<0.000000e+00> : vector<8x1xf32>
    %dot_general3A_193 = tpu.matmul %convert_element_type3A_188, %mul3A_191, %dot_general3A_192 {dimension_numbers = #tpu.dot_dimension_numbers<[1], [1], [0], [0], [0, 0, 1, 0], [], []>, transpose_lhs_hint = false} : vector<8x8xf32>, vector<1x8xf32>, vector<8x1xf32> -> vector<8x1xf32>
    %iota3A_194 = tpu.iota {dimensions = array<i32: 1>} : vector<8x64xi32>
    %convert_element_type3A_195 = arith.sitofp %iota3A_194 : vector<8x64xi32> to vector<8x64xf32>
    %le3A = vector.broadcast %dot_general3A_193 : vector<8x1xf32> to vector<8x64xf32>
    %le3A_196 = arith.cmpf ole, %le3A, %convert_element_type3A_195 : vector<8x64xf32>
    %convert_element_type3A_197 = arith.extui %le3A_196 : vector<8x64xi1> to vector<8x64xi32>
    %convert_element_type3A_198 = arith.sitofp %convert_element_type3A_197 : vector<8x64xi32> to vector<8x64xf32>
    %reduce_sum3A_199 = arith.constant dense<0.000000e+00> : vector<64xf32>
    %reduce_sum3A_200 = vector.multi_reduction <add>, %convert_element_type3A_198, %reduce_sum3A_199 [0] : vector<8x64xf32> to vector<64xf32>
    %broadcast_in_dim3A_201 = vector.shape_cast %reduce_sum3A_200 : vector<64xf32> to vector<1x64xf32>
    %sub3A_202 = arith.constant 1.000000e+00 : f32
    %sub3A_203 = vector.broadcast %sub3A_202 : f32 to vector<1x64xf32>
    %sub3A_204 = arith.subf %broadcast_in_dim3A_201, %sub3A_203 : vector<1x64xf32>
    %convert_element_type3A_205 = arith.fptosi %sub3A_204 : vector<1x64xf32> to vector<1x64xi32>
    %swap3A_206 = arith.constant 0 : index
    %swap3A_207 = arith.constant 0 : index
    %swap3A_208 = vector.load %arg5[%swap3A_206, %swap3A_207] : memref<1x64xi32, #tpu.memory_space<vmem>>, vector<1x64xi32>
    tpu.vector_store %arg5[%swap3A_206, %swap3A_207], %convert_element_type3A_205 {strides = array<i32>} : memref<1x64xi32, #tpu.memory_space<vmem>>, vector<1x64xi32>,
    return
  }
  func.func @transform_0(%arg0: i32) -> (i32, i32) {
    %c0_i32 = arith.constant 0 : i32
    %c0_i32_0 = arith.constant 0 : i32
    %c0_i32_1 = arith.constant 0 : i32
    return %c0_i32, %c0_i32_0 : i32, i32
  }
  func.func @transform_1(%arg0: i32) -> (i32, i32) {
    %c0_i32 = arith.constant 0 : i32
    %c0_i32_0 = arith.constant 0 : i32
    %c0_i32_1 = arith.constant 0 : i32
    return %c0_i32, %c0_i32_0 : i32, i32
  }
  func.func @transform_2(%arg0: i32) -> (i32, i32) {
    %c0_i32 = arith.constant 0 : i32
    %c0_i32_0 = arith.constant 0 : i32
    %c0_i32_1 = arith.constant 0 : i32
    return %c0_i32, %c0_i32_0 : i32, i32
  }
  func.func @transform_3(%arg0: i32) -> (i32, i32) {
    %c0_i32 = arith.constant 0 : i32
    %c0_i32_0 = arith.constant 0 : i32
    %c0_i32_1 = arith.constant 0 : i32
    return %c0_i32, %c0_i32_0 : i32, i32
  }
  func.func @transform_4(%arg0: i32) -> (i32, i32) {
    %c0_i32 = arith.constant 0 : i32
    %c0_i32_0 = arith.constant 0 : i32
    %c0_i32_1 = arith.constant 0 : i32
    return %c0_i32, %c0_i32_0 : i32, i32
  }
}

module attributes {stable_mosaic.version = 14 : i64} {
  func.func @_combine_body(%arg0: i32, %arg1: memref<1024x1024xbf16, #tpu.memory_space<vmem>>, %arg2: memref<1024x1024xf32, #tpu.memory_space<vmem>>, %arg3: memref<1024x1024xf32, #tpu.memory_space<vmem>>, %arg4: memref<1024x8xf32, #tpu.memory_space<vmem>>, %arg5: memref<1024x1024xf32, #tpu.memory_space<vmem>>) attributes {dimension_semantics = [#tpu.dimension_semantics<arbitrary>], iteration_bounds = array<i64: 4>, scalar_prefetch = 0 : i64, scratch_operands = 0 : i64, tpu.core_type = #tpu.core_type<tc>, window_params = [{transform_indices = @transform_0, window_bounds = array<i64: 1024, 1024>}, {transform_indices = @transform_1, window_bounds = array<i64: 1024, 1024>}, {transform_indices = @transform_2, window_bounds = array<i64: 1024, 1024>}, {transform_indices = @transform_3, window_bounds = array<i64: 1024, 8>}, {transform_indices = @transform_4, window_bounds = array<i64: 1024, 1024>}]} {
    %iota3A = tpu.iota {dimensions = array<i32: 1>} : vector<1024x8xi32>
    %eq3A = arith.constant 2 : i32
    %eq3A_0 = vector.broadcast %eq3A : i32 to vector<1024x8xi32>
    %eq3A_1 = arith.cmpi eq, %iota3A, %eq3A_0 : vector<1024x8xi32>
    %get3A = arith.constant 0 : index
    %get3A_2 = arith.constant 0 : index
    %get3A_3 = vector.load %arg4[%get3A, %get3A_2] : memref<1024x8xf32, #tpu.memory_space<vmem>>, vector<1024x8xf32>
    %jit3A = arith.constant 0.000000e+00 : f32
    %broadcast_in_dim3A = vector.broadcast %jit3A : f32 to vector<1024x8xf32>
    %select_n3A = arith.select %eq3A_1, %get3A_3, %broadcast_in_dim3A : vector<1024x8xi1>, vector<1024x8xf32>
    %reduce_sum3A = arith.constant dense<0.000000e+00> : vector<1024xf32>
    %reduce_sum3A_4 = vector.multi_reduction <add>, %select_n3A, %reduce_sum3A [1] : vector<1024x8xf32> to vector<1024xf32>
    %broadcast_in_dim3A_5 = vector.shape_cast %reduce_sum3A_4 : vector<1024xf32> to vector<1024x1xf32>
    %eq3A_6 = arith.constant 3 : i32
    %eq3A_7 = vector.broadcast %eq3A_6 : i32 to vector<1024x8xi32>
    %eq3A_8 = arith.cmpi eq, %iota3A, %eq3A_7 : vector<1024x8xi32>
    %get3A_9 = arith.constant 0 : index
    %get3A_10 = arith.constant 0 : index
    %get3A_11 = vector.load %arg4[%get3A_9, %get3A_10] : memref<1024x8xf32, #tpu.memory_space<vmem>>, vector<1024x8xf32>
    %jit3A_12 = arith.constant 0.000000e+00 : f32
    %broadcast_in_dim3A_13 = vector.broadcast %jit3A_12 : f32 to vector<1024x8xf32>
    %select_n3A_14 = arith.select %eq3A_8, %get3A_11, %broadcast_in_dim3A_13 : vector<1024x8xi1>, vector<1024x8xf32>
    %reduce_sum3A_15 = arith.constant dense<0.000000e+00> : vector<1024xf32>
    %reduce_sum3A_16 = vector.multi_reduction <add>, %select_n3A_14, %reduce_sum3A_15 [1] : vector<1024x8xf32> to vector<1024xf32>
    %broadcast_in_dim3A_17 = vector.shape_cast %reduce_sum3A_16 : vector<1024xf32> to vector<1024x1xf32>
    %get3A_18 = arith.constant 0 : index
    %get3A_19 = arith.constant 0 : index
    %get3A_20 = vector.load %arg1[%get3A_18, %get3A_19] : memref<1024x1024xbf16, #tpu.memory_space<vmem>>, vector<1024x1024xbf16>
    %convert_element_type3A = arith.extf %get3A_20 : vector<1024x1024xbf16> to vector<1024x1024xf32>
    %get3A_21 = arith.constant 0 : index
    %get3A_22 = arith.constant 0 : index
    %get3A_23 = vector.load %arg2[%get3A_21, %get3A_22] : memref<1024x1024xf32, #tpu.memory_space<vmem>>, vector<1024x1024xf32>
    %mul3A = vector.broadcast %broadcast_in_dim3A_5 : vector<1024x1xf32> to vector<1024x1024xf32>
    %mul3A_24 = arith.mulf %mul3A, %get3A_23 : vector<1024x1024xf32>
    %add3A = arith.addf %convert_element_type3A, %mul3A_24 : vector<1024x1024xf32>
    %get3A_25 = arith.constant 0 : index
    %get3A_26 = arith.constant 0 : index
    %get3A_27 = vector.load %arg3[%get3A_25, %get3A_26] : memref<1024x1024xf32, #tpu.memory_space<vmem>>, vector<1024x1024xf32>
    %mul3A_28 = vector.broadcast %broadcast_in_dim3A_17 : vector<1024x1xf32> to vector<1024x1024xf32>
    %mul3A_29 = arith.mulf %mul3A_28, %get3A_27 : vector<1024x1024xf32>
    %add3A_30 = arith.addf %add3A, %mul3A_29 : vector<1024x1024xf32>
    %swap3A = arith.constant 0 : index
    %swap3A_31 = arith.constant 0 : index
    %swap3A_32 = vector.load %arg5[%swap3A, %swap3A_31] : memref<1024x1024xf32, #tpu.memory_space<vmem>>, vector<1024x1024xf32>
    tpu.vector_store %arg5[%swap3A, %swap3A_31], %add3A_30 {strides = array<i32>} : memref<1024x1024xf32, #tpu.memory_space<vmem>>, vector<1024x1024xf32>,
    return
  }
  func.func @transform_0(%arg0: i32) -> (i32, i32) {
    %c0_i32 = arith.constant 0 : i32
    %c0_i32_0 = arith.constant 0 : i32
    return %arg0, %c0_i32 : i32, i32
  }
  func.func @transform_1(%arg0: i32) -> (i32, i32) {
    %c0_i32 = arith.constant 0 : i32
    %c0_i32_0 = arith.constant 0 : i32
    return %arg0, %c0_i32 : i32, i32
  }
  func.func @transform_2(%arg0: i32) -> (i32, i32) {
    %add3A = arith.constant 4 : i32
    %add3A_0 = arith.addi %arg0, %add3A : i32
    %c0_i32 = arith.constant 0 : i32
    %c0_i32_1 = arith.constant 0 : i32
    return %add3A_0, %c0_i32 : i32, i32
  }
  func.func @transform_3(%arg0: i32) -> (i32, i32) {
    %c0_i32 = arith.constant 0 : i32
    %c0_i32_0 = arith.constant 0 : i32
    return %arg0, %c0_i32 : i32, i32
  }
  func.func @transform_4(%arg0: i32) -> (i32, i32) {
    %c0_i32 = arith.constant 0 : i32
    %c0_i32_0 = arith.constant 0 : i32
    return %arg0, %c0_i32 : i32, i32
  }
}

</mosaic_0001>

<sc_bundles>
// kernel: kernel.11.cloned.1.call-start
scs
__scs_entry_jumppad:
0x0: {  	(pc) =	sbr.rel $0x88, $3  }
0x1: {  	(tag) =	ssettag $0x0;
	lr =	simm.s32 $0x1  }
0x2: {  	[smem:$0x3F98] =	sst lr;
	_ =	strace $0xD0000000  }
0x3: {  	_ = 	snop  }
0x4: {  	_ = 	snop  }
0x5: {  	_ = 	snop  }
0x6: {  	_ = 	snop  }
0x7: {  	_ = 	snop  }
__scs_overlays_trampoline_lowered:
0x8: {  	[smem:$0x3FA7] =	sst s0  }
0x9: {  	[smem:$0x3FA8] =	sst s1  }
0xa: {  	[smem:$0x3FA9] =	sst s2  }
0xb: {  	[smem:$0x3FAA] =	sst s3  }
0xc: {  	[smem:$0x3FAB] =	sst s4  }
0xd: {  	[smem:$0x3FAC] =	sst s5  }
0xe: {  	[smem:$0x3FAD] =	sst s6  }
0xf: {  	[smem:$0x3FAE] =	sst s7  }
0x10: {  	[smem:$0x3FAF] =	sst s8  }
0x11: {  	[smem:$0x3FB0] =	sst s9;
	s0 =	simm.s32 @!p0 $0x0  }
0x12: {  	s1 =	sld [smem:$0x3F96];
	s0 =	simm.s32 @p0 $0x1  }
0x13: {  	[smem:$0x3FB1] =	sst s0;
	s0 =	simm.s32 @!p1 $0x0  }
0x14: {  	s2 =	sld [smem:$0x3F95];
	s0 =	simm.s32 @p1 $0x1  }
0x15: {  	[smem:$0x3FB2] =	sst s0;
	s0 =	simm.s32 @!p2 $0x0  }
0x16: {  	s3 =	sld [smem:$0x3FDB];
	s0 =	simm.s32 @p2 $0x1  }
0x17: {  	s4 =	simm.s32 $0x1BF5;
	[smem:$0x3FB4] =	sst s0  }
0x18: {  	s0 =	sld [smem:$0x3F97];
	_ =	swait.ge [sflag:s4], $0x0  }
0x19: {  	s7 =	sld [smem:$0x3F98]  }
0x1a: {  	s8 =	sadd.s32 $0xFFFFE003, lr  }
0x1b: {  	s9 =	sadd.s32 $0xFFFFFEF7, lr;
	s5 =	simm.s32 $0xFFFFFFFF;
	p2 =	slt.u32 s8, $0xFFFFF086  }
0x1c: {  	p1 =	slt.u32 s9, $0xF7A;
	s5 =	simm.s32 @!p2 $0x0  }
0x1d: {  	s5 =	simm.s32 @p1 $0x1;
	p0 =	seq.s32 s7, s2  }
0x1e: {  	s7 =	smul.u32 @!p0 $0xF7A, s2;
	p2 =	seq.s32 @!p0 s5, $0x0  }
0x1f: {  	s9 =	smul.u32 $0xF7A, s1;
	s8 =	simm.s32 @!p0 $0x1BF5;
	p2 =	por !p2, p0  }
0x20: {  	[sflag:s8] =	ssyncset.s32 @!p0 $0xFFFFF086;
	s6 =	sadd.s32 @!p0 s3, s7;
	s7 =	simm.s32 @!p0 $0x108  }
0x21: {  	s3 =	sadd.s32 s3, s9;
	s6 =	sadd.s32 @!p0 $0x88, s6;
	s7 =	simm.s32 @p2 $0x1082  }
0x22: {  	[simem:s7], [sflag:s8] =	dma.local @!p0 [hbm:s6], $0xF7A  }
0x23: {  	s9 =	sor.u32 $0xD0000000, s2;
	s6 =	simm.s32 $0x108;
	_ =	swait.ge @!p0 [sflag:s8], $0x0  }
0x24: {  	s3 =	sadd.s32 $0x88, s3;
	s6 =	simm.s32 @!p1 $0x1082;
	[sflag:s4] =	ssyncset.s32 $0xFFFFF086  }
0x25: {  	[simem:s6], [sflag:s4] =	dma.local [hbm:s3], $0xF7A  }
0x26: {  	[smem:$0x3F98] =	sst s1;
	(tag) =	ssettag s2;
	_ =	strace s9  }
0x27: {  	s1 =	sld [smem:$0x3FA8]  }
0x28: {  	s2 =	sld [smem:$0x3FA9]  }
0x29: {  	s4 =	sld [smem:$0x3FAB]  }
0x2a: {  	p0 =	seq.s32 s5, $0x0;
	s5 =	sld [smem:$0x3FAC]  }
0x2b: {  	s6 =	sld [smem:$0x3FAD]  }
0x2c: {  	s7 =	sld [smem:$0x3FAE]  }
0x2d: {  	s3 =	simm.s32 $0x108;
	s8 =	sld [smem:$0x3FAF]  }
0x2e: {  	s3 =	simm.s32 @!p0 $0x1082;
	s9 =	sld [smem:$0x3FB0]  }
0x2f: {  	lr =	sadd.s32 s0, s3;
	s0 =	sld [smem:$0x3FA7]  }
0x30: {  	s3 =	sld [smem:$0x3FAA]  }
0x31: {  	[smem:$0x3FB3] =	sst s10  }
0x32: {  	s10 =	sld [smem:$0x3FB1];
	_ =	sdelay $0x3  }
0x33: {  	p0 =	seq.s32 s10, $0x1;
	s10 =	sld [smem:$0x3FB3];
	_ =	sdelay $0x3  }
0x34: {  	[smem:$0x3FB3] =	sst s10  }
0x35: {  	s10 =	sld [smem:$0x3FB2];
	_ =	sdelay $0x3  }
0x36: {  	p1 =	seq.s32 s10, $0x1;
	s10 =	sld [smem:$0x3FB3];
	_ =	sdelay $0x3  }
0x37: {  	[smem:$0x3FB3] =	sst s10  }
0x38: {  	s10 =	sld [smem:$0x3FB4]  }
0x39: {  	_ = 	snop;
	(pc) =	sbr.ind lr, $3  }
0x3a: {  	_ = 	snop  }
0x3b: {  	_ = 	snop  }
0x3c: {  	p2 =	seq.s32 s10, $0x1;
	s10 =	sld [smem:$0x3FB3]  }
0x3d: {  	_ =	shalt  }
0x3e: {  	_ =	shalt  }
0x3f: {  	_ =	shalt  }
0x40: {  	_ =	shalt  }
0x41: {  	_ =	shalt  }
0x42: {  	_ =	shalt  }
0x43: {  	_ =	shalt  }
0x44: {  	_ =	shalt  }
0x45: {  	_ =	shalt  }
0x46: {  	_ =	shalt  }
0x47: {  	_ =	shalt  }
0x48: {  	_ =	shalt  }
0x49: {  	_ =	shalt  }
0x4a: {  	_ =	shalt  }
0x4b: {  	_ =	shalt  }
0x4c: {  	_ =	shalt  }
0x4d: {  	_ =	shalt  }
0x4e: {  	_ =	shalt  }
0x4f: {  	_ =	shalt  }
0x50: {  	_ =	shalt  }
0x51: {  	_ =	shalt  }
0x52: {  	_ =	shalt  }
0x53: {  	_ =	shalt  }
0x54: {  	_ =	shalt  }
0x55: {  	_ =	shalt  }
0x56: {  	_ =	shalt  }
0x57: {  	_ =	shalt  }
0x58: {  	_ =	shalt  }
0x59: {  	_ =	shalt  }
0x5a: {  	_ =	shalt  }
0x5b: {  	_ =	shalt  }
0x5c: {  	_ =	shalt  }
0x5d: {  	_ =	shalt  }
0x5e: {  	_ =	shalt  }
0x5f: {  	_ =	shalt  }
0x60: {  	_ =	shalt  }
0x61: {  	_ =	shalt  }
0x62: {  	_ =	shalt  }
0x63: {  	_ =	shalt  }
0x64: {  	_ =	shalt  }
0x65: {  	_ =	shalt  }
0x66: {  	_ =	shalt  }
0x67: {  	_ =	shalt  }
0x68: {  	_ =	shalt  }
0x69: {  	_ =	shalt  }
0x6a: {  	_ =	shalt  }
0x6b: {  	_ =	shalt  }
0x6c: {  	_ =	shalt  }
0x6d: {  	_ =	shalt  }
0x6e: {  	_ =	shalt  }
0x6f: {  	_ =	shalt  }
0x70: {  	_ =	shalt  }
0x71: {  	_ =	shalt  }
0x72: {  	_ =	shalt  }
0x73: {  	_ =	shalt  }
0x74: {  	_ =	shalt  }
0x75: {  	_ =	shalt  }
0x76: {  	_ =	shalt  }
0x77: {  	_ =	shalt  }
0x78: {  	_ =	shalt  }
0x79: {  	_ =	shalt  }
0x7a: {  	_ =	shalt  }
0x7b: {  	_ =	shalt  }
0x7c: {  	_ =	shalt  }
0x7d: {  	_ =	shalt  }
0x7e: {  	_ =	shalt  }
0x7f: {  	_ =	shalt  }
0x80: {  	_ =	shalt  }
0x81: {  	_ =	shalt  }
0x82: {  	_ =	shalt  }
0x83: {  	_ =	shalt  }
0x84: {  	_ =	shalt  }
0x85: {  	_ =	shalt  }
0x86: {  	_ =	shalt  }
0x87: {  	_ =	shalt  }
.Lfunc_end0:
.L_simem_size_0:
called_computation.1_lowered:
.L_overlay_start_0:
0x88: {  	s2 =	sld [smem:$0x3FD9]  }
0x89: {  	s3 =	sld [smem:$0x3FFE];
	_ =	sdelay $0x1  }
0x8a: {  	s1 =	srdreg.scid  }
0x8b: {  	s0 =	sand.u32 $0x1, s1  }
0x8c: {  	s16 =	sshll.u32 s0, $0xA;
	s2 =	sadd.s32 s3, s2  }
0x8d: {  	s2 =	sadd.s32 s2, s16  }
0x8e: {  	[smem:$0x3FBF] =	sst s2  }
0x8f: {  	_ = 	snop  }
0x90: {  	(tm) =	ssettm $0x1  }
0x91: {  	s17 =	sld [smem:$0x3FFB];
	_ =	sdelay $0x3  }
0x92: {  	_ =	strace s17  }
0x93: {  	s2 =	sld [smem:$0x3FFC];
	_ =	sdelay $0x3  }
0x94: {  	_ =	strace s2  }
0x95: {  	s2 =	sld [smem:$0x3FFD];
	_ =	sdelay $0x3  }
0x96: {  	_ =	strace s2  }
0x97: {  	_ =	strace $0x8FFFFFFF  }
0x98: {  	s18 =	sld [smem:$0x3FDB];
	_ =	sdelay $0x1  }
0x99: {  	s19 =	simm.s32 $_scs_section_size  }
0x9a: {  	s4 =	simm.s32 $_size__tile_overlayer_lowered;
	s5 =	simm.s32 $_tile_overlayer_lowered  }
0x9b: {  	s22 =	simm.s32 $0x1BFF;
	s21 =	sshll.u32 s5, $0x1;
	s2 =	sadd.s32 s19, s18  }
0x9c: {  	s6 =	simm.s32 $0x0;
	s20 =	sshll.u32 s4, $0x1;
	s4 =	sadd.s32 s21, s2  }
0x9d: {  	[timem:s6], [sflag:s22] =	dma.local [hbm:s4], s20  }
0x9e: {  	_ =	swait.ge [sflag:s22], s20  }
0x9f: {  	s3 =	ssub.s32 $0x0, s20;
	[sflag:s22] =	ssyncset.done $0x0  }
0xa0: {  	[sflag:s22] =	ssyncadd.s32 s3;
	_ =	sdelay $0x1  }
0xa1: {  	s23 =	simm.s32 $0x1B8B  }
0xa2: {  	_ =	swait.ge [sflag:s23], $0x1  }
0xa3: {  	[sflag:s23] =	ssyncset.done $0x0  }
0xa4: {  	s25 =	simm.s32 $0x1B8E;
	s24 =	sld [smem:$0x3FFE];
	[sflag:s23] =	ssyncadd.s32 $0xFFFFFFFF  }
0xa5: {  	s26 =	simm.s32 $execute0_lowered;
	[smem:$0x3FD2] =	sst s25  }
0xa6: {  	s4 =	sshll.u32 s26, $0x1;
	_ =	strace $0x80000049;
	[dreg:$0x1] =	wrdreg $0xFFFFFFFF  }
0xa7: {  	s28 =	simm.s32 $_size_execute0_lowered;
	s2 =	sadd.s32 s2, s4;
	[dreg:$0x0] =	wrdreg $0x0  }
0xa8: {  	s4 =	sshll.u32 s28, $0x1;
	[dreg:$0x2] =	wrdreg s2  }
0xa9: {  	[dreg:$0x3] =	wrdreg s4  }
0xaa: {  	[dreg:$0x4] =	wrdreg $0xC0  }
0xab: {  	_ =	task [dreg:s6], $0x5FFFF  }
0xac: {  	[dreg:$0x1] =	wrdreg $0xFFFFFFFF  }
0xad: {  	[dreg:$0x0] =	wrdreg $0x60  }
0xae: {  	[dreg:$0x2] =	wrdreg s24  }
0xaf: {  	[dreg:$0x3] =	wrdreg $0x9  }
0xb0: {  	_ =	task.clear_ibuf [dreg:s6], $0x4FFFF;
	_ =	strace $0x90000049  }
0xb1: {  	s29 =	simm.s32 $0x9;
	_ =	strace $0x8000004B  }
0xb2: {  	_ =	swait.ge [sflag:s29], $0x1  }
0xb3: {  	[sflag:s29] =	ssyncadd.s32 $0xFFFFFFFF  }
0xb4: {  	_ =	strace $0x9000004B  }
0xb5: {  	_ =	sfence  }
0xb6: {  	s30 =	sld [smem:$0x0];
	_ =	sdelay $0x2  }
0xb7: {  	s31 =	sshll.u32 s1, $0xD;
	s1 =	sshrl.u32 s1, $0x2  }
0xb8: {  	s3 =	sand.u32 $0x4000, s31;
	s1 =	sadd.s32 s1, s30  }
0xb9: {  	s0 =	sor.u32 s3, s0;
	s1 =	sshll.u32 s1, $0x11  }
0xba: {  	s0 =	sor.u32 s1, s0  }
0xbb: {  	s0 =	sadd.s32 $0x8F2B, s0  }
0xbc: {  	[sflag:s0] =	ssyncadd.remote.s32 $0x1  }
0xbd: {  	_ =	sfence.sel $0xFFFF  }
0xbe: {  	[dreg:$0x0] =	wrdreg $0xFFFFFFFF;
	(pc) =	sbr.abs _section_cstart, $3  }
0xbf: {  	[dreg:$0x1] =	wrdreg $0xFFFFFFFF  }
0xc0: {  	_ =	task.clear_ibuf [dreg:s6], $0x2FFFF;
	_ =	strace $0x9FFFFFFF  }
0xc1: {  	(tm) =	ssettm $0x7FFFFFFF  }
tec
execute0_lowered:
.L_overlay_start_1:
0x0: {  	(tag) =	ssettag $0x1  }
0x1: {  	s0 =	rddreg [dreg:$0x0];
	s2 =	simm.s32 $0x0  }
0x2: {  	s1 =	srdreg.scid;
	s3 =	stileid.u32;
	s18 =	simm.s32 $0x1  }
0x3: {  	[smem:$0x7FF] =	sst s2;
	s1 =	sand.u32 $0x1, s1;
	s4 =	sshll.u32 s3, $0x9  }
0x4: {  	s3 =	sadd.s32 $0x142600, s0;
	s7 =	sadd.s32 $0x2200, s0;
	s8 =	sadd.s32 $0x2600, s0  }
0x5: {  	_ =	strace $0x8000004A;
	s5 =	sshll.u32 s1, $0x8;
	s1 =	ssub.s32 $0x2, s1  }
0x6: {  	s6 =	sor.u32 s5, s4;
	s21 =	sshrl.u32 s1, $0x1;
	s4 =	sadd.s32 $0x142700, s0  }
0x7: {  	s5 =	sshrl.u32 s6, $0x3;
	s1 =	ssub.s32 s1, s21;
	s23 =	sshll.u32 s6, $0x7  }
0x8: {  	s9 =	sor.u32 $0x40, s6;
	s25 =	sor.u32 $0x80, s6;
	s6 =	sor.u32 $0xC0, s6  }
0x9: {  	s22 =	sadd.s32 s7, s5;
	s5 =	sadd.s32 s8, s23;
	s10 =	sshrl.u32 s9, $0x3  }
0xa: {  	s9 =	sshll.u32 s9, $0x7;
	s26 =	sshrl.u32 s25, $0x3;
	[dreg:$0x2] =	wrdreg s22  }
0xb: {  	s29 =	sshrl.u32 s6, $0x3;
	[dreg:$0x3] =	wrdreg s5;
	s24 =	sadd.s32 s7, s10  }
0xc: {  	s30 =	sshll.u32 s6, $0x7;
	s9 =	sadd.s32 s8, s9;
	[dreg:$0x4] =	wrdreg s24  }
0xd: {  	s6 =	sadd.s32 $0x142900, s0;
	s31 =	sadd.s32 s8, s30;
	[dreg:$0x5] =	wrdreg s9  }
0xe: {  	s10 =	sshll.u32 s25, $0x7;
	s9 =	sadd.s32 s7, s26;
	[dreg:$0x9] =	wrdreg s31  }
0xf: {  	v2 =	vlaneseq.u32;
	s23 =	simm.s32 $0x80;
	s28 =	sadd.s32 s8, s10;
	[dreg:$0x6] =	wrdreg s9  }
0x10: {  	vm0 =	vmmov $0xffff;
	v1 =	vshrl.u32 v2, $0x3;
	s5 =	sadd.s32 $0x142800, s0;
	s7 =	sadd.s32 s7, s29;
	[dreg:$0x7] =	wrdreg s28  }
0x11: {  	v0 =	vand.u32 $0x7, v2;
	v2 =	vor.u32 $0x8, v2;
	v1 =	vmul.u32 $0x8, v1;
	s8 =	simm.s32 $0x2;
	[dreg:$0x8] =	wrdreg s7;
	s7 =	smax.u32 s1, $0x1  }
.LBB2_1:
0x12: {  	s19 =	rddreg [dreg:$0x2]  }
0x13: {  	[tilespmem:s2], [sflag:$0x2] =	stream.linear.gather [hbm4b:s19+s2], $0x40, $0x38;
	[tilespmem:$0x10080] =	vst v63  }
0x14: {  	_ =	swait.ge [sflag:s8], $0x40  }
0x15: {  	[sflag:s8] =	ssyncset.done $0x0  }
0x16: {  	[sflag:s8] =	ssyncadd.s32 $0xFFFFFFC0  }
0x17: {  	v3 =	vld [tilespmem:$0x0];
	_ =	sdelay $0x4  }
0x18: {  	v4 =	vshll.u32 v3, $0x3  }
0x19: {  	v3 =	vand.u32 $0x7, v3;
	v4 =	vand.u32 $0xFFFFFFC0, v4  }
0x1a: {  	v3 =	vor.u32 v3, v4  }
0x1b: {  	v4 =	vperm.xlane v3, v0;
	_ =	sdelay $0x1  }
0x1c: {  	v4 =	vadd.s32 v1, v4;
	_ =	sdelay $0x4  }
0x1d: {  	[tilespmem:s23], [sflag:$0x1] =	stream.indirect_vreg.gather [hbm4b:s3+s2], $0x80, v4, vm0, $0xb8;
	[tilespmem:$0x10080] =	vst v63  }
0x1e: {  	s0 =	simm.s32 $0x880;
	v3 =	vperm.xlane v3, v2  }
0x1f: {  	[tilespmem:s0], [sflag:$0x1] =	stream.indirect_vreg.gather [hbm4b:s4+s2], $0x80, v4, vm0, $0xb8;
	[tilespmem:$0x10080] =	vst v63  }
0x20: {  	s12 =	simm.s32 $0x1080;
	v3 =	vadd.s32 v1, v3  }
0x21: {  	[tilespmem:s12], [sflag:$0x1] =	stream.indirect_vreg.gather [hbm4b:s5+s2], $0x80, v4, vm0, $0xb8;
	[tilespmem:$0x10080] =	vst v63  }
0x22: {  	s13 =	simm.s32 $0x1880  }
0x23: {  	[tilespmem:s13], [sflag:$0x1] =	stream.indirect_vreg.gather [hbm4b:s6+s2], $0x80, v4, vm0, $0xb8;
	[tilespmem:$0x10080] =	vst v63  }
0x24: {  	s15 =	simm.s32 $0x2080  }
0x25: {  	[tilespmem:s15], [sflag:$0x1] =	stream.indirect_vreg.gather [hbm4b:s3+s2], $0x80, v3, vm0, $0xb8;
	[tilespmem:$0x10080] =	vst v63  }
0x26: {  	s16 =	simm.s32 $0x2880  }
0x27: {  	[tilespmem:s16], [sflag:$0x1] =	stream.indirect_vreg.gather [hbm4b:s4+s2], $0x80, v3, vm0, $0xb8;
	[tilespmem:$0x10080] =	vst v63  }
0x28: {  	s17 =	simm.s32 $0x3080  }
0x29: {  	[tilespmem:s17], [sflag:$0x1] =	stream.indirect_vreg.gather [hbm4b:s5+s2], $0x80, v3, vm0, $0xb8;
	[tilespmem:$0x10080] =	vst v63  }
0x2a: {  	s19 =	simm.s32 $0x3880  }
0x2b: {  	[tilespmem:s19], [sflag:$0x1] =	stream.indirect_vreg.gather [hbm4b:s6+s2], $0x80, v3, vm0, $0xb8;
	[tilespmem:$0x10080] =	vst v63  }
0x2c: {  	v3 =	vld [tilespmem:$0x10];
	_ =	sdelay $0x4  }
0x2d: {  	v49 =	vshll.u32 v3, $0x3  }
0x2e: {  	v3 =	vand.u32 $0x7, v3;
	v4 =	vand.u32 $0xFFFFFFC0, v49  }
0x2f: {  	v3 =	vor.u32 v3, v4  }
0x30: {  	v4 =	vperm.xlane v3, v0;
	_ =	sdelay $0x1  }
0x31: {  	v4 =	vadd.s32 v1, v4;
	_ =	sdelay $0x3  }
0x32: {  	s20 =	simm.s32 $0x4080  }
0x33: {  	[tilespmem:s20], [sflag:$0x1] =	stream.indirect_vreg.gather [hbm4b:s3+s2], $0x80, v4, vm0, $0xb8;
	[tilespmem:$0x10080] =	vst v63  }
0x34: {  	s21 =	simm.s32 $0x4880;
	v3 =	vperm.xlane v3, v2  }
0x35: {  	[tilespmem:s21], [sflag:$0x1] =	stream.indirect_vreg.gather [hbm4b:s4+s2], $0x80, v4, vm0, $0xb8;
	[tilespmem:$0x10080] =	vst v63  }
0x36: {  	s22 =	simm.s32 $0x5080;
	v3 =	vadd.s32 v1, v3  }
0x37: {  	[tilespmem:s22], [sflag:$0x1] =	stream.indirect_vreg.gather [hbm4b:s5+s2], $0x80, v4, vm0, $0xb8;
	[tilespmem:$0x10080] =	vst v63  }
0x38: {  	s24 =	simm.s32 $0x5880  }
0x39: {  	[tilespmem:s24], [sflag:$0x1] =	stream.indirect_vreg.gather [hbm4b:s6+s2], $0x80, v4, vm0, $0xb8;
	[tilespmem:$0x10080] =	vst v63  }
0x3a: {  	s25 =	simm.s32 $0x6080  }
0x3b: {  	[tilespmem:s25], [sflag:$0x1] =	stream.indirect_vreg.gather [hbm4b:s3+s2], $0x80, v3, vm0, $0xb8;
	[tilespmem:$0x10080] =	vst v63  }
0x3c: {  	s26 =	simm.s32 $0x6880  }
0x3d: {  	[tilespmem:s26], [sflag:$0x1] =	stream.indirect_vreg.gather [hbm4b:s4+s2], $0x80, v3, vm0, $0xb8;
	[tilespmem:$0x10080] =	vst v63  }
0x3e: {  	s28 =	simm.s32 $0x7080  }
0x3f: {  	[tilespmem:s28], [sflag:$0x1] =	stream.indirect_vreg.gather [hbm4b:s5+s2], $0x80, v3, vm0, $0xb8;
	[tilespmem:$0x10080] =	vst v63  }
0x40: {  	s29 =	simm.s32 $0x7880  }
0x41: {  	[tilespmem:s29], [sflag:$0x1] =	stream.indirect_vreg.gather [hbm4b:s6+s2], $0x80, v3, vm0, $0xb8;
	[tilespmem:$0x10080] =	vst v63  }
0x42: {  	v3 =	vld [tilespmem:$0x20];
	_ =	sdelay $0x4  }
0x43: {  	v50 =	vshll.u32 v3, $0x3  }
0x44: {  	v3 =	vand.u32 $0x7, v3;
	v4 =	vand.u32 $0xFFFFFFC0, v50  }
0x45: {  	v3 =	vor.u32 v3, v4  }
0x46: {  	v4 =	vperm.xlane v3, v0;
	_ =	sdelay $0x1  }
0x47: {  	v4 =	vadd.s32 v1, v4;
	_ =	sdelay $0x3  }
0x48: {  	s30 =	simm.s32 $0x8080  }
0x49: {  	[tilespmem:s30], [sflag:$0x1] =	stream.indirect_vreg.gather [hbm4b:s3+s2], $0x80, v4, vm0, $0xb8;
	[tilespmem:$0x10080] =	vst v63  }
0x4a: {  	s16 =	simm.s32 $0x8880;
	v3 =	vperm.xlane v3, v2  }
0x4b: {  	[tilespmem:s16], [sflag:$0x1] =	stream.indirect_vreg.gather [hbm4b:s4+s2], $0x80, v4, vm0, $0xb8;
	[tilespmem:$0x10080] =	vst v63  }
0x4c: {  	s17 =	simm.s32 $0x9080;
	v3 =	vadd.s32 v1, v3  }
0x4d: {  	[tilespmem:s17], [sflag:$0x1] =	stream.indirect_vreg.gather [hbm4b:s5+s2], $0x80, v4, vm0, $0xb8;
	[tilespmem:$0x10080] =	vst v63  }
0x4e: {  	s19 =	simm.s32 $0x9880  }
0x4f: {  	[tilespmem:s19], [sflag:$0x1] =	stream.indirect_vreg.gather [hbm4b:s6+s2], $0x80, v4, vm0, $0xb8;
	[tilespmem:$0x10080] =	vst v63  }
0x50: {  	s20 =	simm.s32 $0xA080  }
0x51: {  	[tilespmem:s20], [sflag:$0x1] =	stream.indirect_vreg.gather [hbm4b:s3+s2], $0x80, v3, vm0, $0xb8;
	[tilespmem:$0x10080] =	vst v63  }
0x52: {  	s21 =	simm.s32 $0xA880  }
0x53: {  	[tilespmem:s21], [sflag:$0x1] =	stream.indirect_vreg.gather [hbm4b:s4+s2], $0x80, v3, vm0, $0xb8;
	[tilespmem:$0x10080] =	vst v63  }
0x54: {  	s22 =	simm.s32 $0xB080  }
0x55: {  	[tilespmem:s22], [sflag:$0x1] =	stream.indirect_vreg.gather [hbm4b:s5+s2], $0x80, v3, vm0, $0xb8;
	[tilespmem:$0x10080] =	vst v63  }
0x56: {  	s24 =	simm.s32 $0xB880  }
0x57: {  	[tilespmem:s24], [sflag:$0x1] =	stream.indirect_vreg.gather [hbm4b:s6+s2], $0x80, v3, vm0, $0xb8;
	[tilespmem:$0x10080] =	vst v63  }
0x58: {  	v3 =	vld [tilespmem:$0x30];
	_ =	sdelay $0x4  }
0x59: {  	v51 =	vshll.u32 v3, $0x3  }
0x5a: {  	v3 =	vand.u32 $0x7, v3;
	v4 =	vand.u32 $0xFFFFFFC0, v51  }
0x5b: {  	v3 =	vor.u32 v3, v4  }
0x5c: {  	v4 =	vperm.xlane v3, v0;
	_ =	sdelay $0x1  }
0x5d: {  	v4 =	vadd.s32 v1, v4;
	_ =	sdelay $0x3  }
0x5e: {  	s25 =	simm.s32 $0xC080  }
0x5f: {  	[tilespmem:s25], [sflag:$0x1] =	stream.indirect_vreg.gather [hbm4b:s3+s2], $0x80, v4, vm0, $0xb8;
	[tilespmem:$0x10080] =	vst v63  }
0x60: {  	s26 =	simm.s32 $0xC880;
	v3 =	vperm.xlane v3, v2  }
0x61: {  	[tilespmem:s26], [sflag:$0x1] =	stream.indirect_vreg.gather [hbm4b:s4+s2], $0x80, v4, vm0, $0xb8;
	[tilespmem:$0x10080] =	vst v63  }
0x62: {  	s29 =	simm.s32 $0xD080;
	v3 =	vadd.s32 v1, v3  }
0x63: {  	[tilespmem:s29], [sflag:$0x1] =	stream.indirect_vreg.gather [hbm4b:s5+s2], $0x80, v4, vm0, $0xb8;
	[tilespmem:$0x10080] =	vst v63  }
0x64: {  	s0 =	simm.s32 $0xD880  }
0x65: {  	[tilespmem:s0], [sflag:$0x1] =	stream.indirect_vreg.gather [hbm4b:s6+s2], $0x80, v4, vm0, $0xb8;
	[tilespmem:$0x10080] =	vst v63  }
0x66: {  	s16 =	simm.s32 $0xE080  }
0x67: {  	[tilespmem:s16], [sflag:$0x1] =	stream.indirect_vreg.gather [hbm4b:s3+s2], $0x80, v3, vm0, $0xb8;
	[tilespmem:$0x10080] =	vst v63  }
0x68: {  	s17 =	simm.s32 $0xE880  }
0x69: {  	[tilespmem:s17], [sflag:$0x1] =	stream.indirect_vreg.gather [hbm4b:s4+s2], $0x80, v3, vm0, $0xb8;
	[tilespmem:$0x10080] =	vst v63  }
0x6a: {  	s24 =	simm.s32 $0xF080  }
0x6b: {  	[tilespmem:s24], [sflag:$0x1] =	stream.indirect_vreg.gather [hbm4b:s5+s2], $0x80, v3, vm0, $0xb8;
	[tilespmem:$0x10080] =	vst v63  }
0x6c: {  	s25 =	simm.s32 $0xF880  }
0x6d: {  	[tilespmem:s25], [sflag:$0x1] =	stream.indirect_vreg.gather [hbm4b:s6+s2], $0x80, v3, vm0, $0xb8;
	[tilespmem:$0x10080] =	vst v63  }
0x6e: {  	_ =	swait.ge [sflag:s18], $0x10000  }
0x6f: {  	[sflag:s18] =	ssyncset.done $0x0  }
0x70: {  	s0 =	rddreg [dreg:$0x3];
	[sflag:s18] =	ssyncadd.s32 $0xFFFF0000  }
0x71: {  	[hbm4b:s0+s2] =	stream.linear.scatter [tilespmem:s23], [sflag:$0x2], $0x10000, $0x38;
	[tilespmem:$0x10080] =	vst v63  }
0x72: {  	_ =	swait.ge [sflag:s8], $0x10000  }
0x73: {  	[sflag:s8] =	ssyncset.done $0x0  }
0x74: {  	s16 =	rddreg [dreg:$0x4];
	[sflag:s8] =	ssyncadd.s32 $0xFFFF0000  }
0x75: {  	[tilespmem:s2], [sflag:$0x2] =	stream.linear.gather [hbm4b:s16+s2], $0x40, $0x38;
	[tilespmem:$0x10080] =	vst v63  }
0x76: {  	_ =	swait.ge [sflag:s8], $0x40  }
0x77: {  	[sflag:s8] =	ssyncset.done $0x0  }
0x78: {  	[sflag:s8] =	ssyncadd.s32 $0xFFFFFFC0  }
0x79: {  	v3 =	vld [tilespmem:$0x0];
	_ =	sdelay $0x4  }
0x7a: {  	v52 =	vshll.u32 v3, $0x3  }
0x7b: {  	v3 =	vand.u32 $0x7, v3;
	v4 =	vand.u32 $0xFFFFFFC0, v52  }
0x7c: {  	v3 =	vor.u32 v3, v4  }
0x7d: {  	v4 =	vperm.xlane v3, v0;
	_ =	sdelay $0x1  }
0x7e: {  	v4 =	vadd.s32 v1, v4;
	_ =	sdelay $0x4  }
0x7f: {  	[tilespmem:s23], [sflag:$0x1] =	stream.indirect_vreg.gather [hbm4b:s3+s2], $0x80, v4, vm0, $0xb8;
	[tilespmem:$0x10080] =	vst v63  }
0x80: {  	s14 =	simm.s32 $0x880;
	v3 =	vperm.xlane v3, v2  }
0x81: {  	[tilespmem:s14], [sflag:$0x1] =	stream.indirect_vreg.gather [hbm4b:s4+s2], $0x80, v4, vm0, $0xb8;
	[tilespmem:$0x10080] =	vst v63  }
0x82: {  	s1 =	simm.s32 $0x1080;
	v3 =	vadd.s32 v1, v3  }
0x83: {  	[tilespmem:s1], [sflag:$0x1] =	stream.indirect_vreg.gather [hbm4b:s5+s2], $0x80, v4, vm0, $0xb8;
	[tilespmem:$0x10080] =	vst v63  }
0x84: {  	s9 =	simm.s32 $0x1880  }
0x85: {  	[tilespmem:s9], [sflag:$0x1] =	stream.indirect_vreg.gather [hbm4b:s6+s2], $0x80, v4, vm0, $0xb8;
	[tilespmem:$0x10080] =	vst v63  }
0x86: {  	s10 =	simm.s32 $0x2080  }
0x87: {  	[tilespmem:s10], [sflag:$0x1] =	stream.indirect_vreg.gather [hbm4b:s3+s2], $0x80, v3, vm0, $0xb8;
	[tilespmem:$0x10080] =	vst v63  }
0x88: {  	s11 =	simm.s32 $0x2880  }
0x89: {  	[tilespmem:s11], [sflag:$0x1] =	stream.indirect_vreg.gather [hbm4b:s4+s2], $0x80, v3, vm0, $0xb8;
	[tilespmem:$0x10080] =	vst v63  }
0x8a: {  	s12 =	simm.s32 $0x3080  }
0x8b: {  	[tilespmem:s12], [sflag:$0x1] =	stream.indirect_vreg.gather [hbm4b:s5+s2], $0x80, v3, vm0, $0xb8;
	[tilespmem:$0x10080] =	vst v63  }
0x8c: {  	s15 =	simm.s32 $0x3880  }
0x8d: {  	[tilespmem:s15], [sflag:$0x1] =	stream.indirect_vreg.gather [hbm4b:s6+s2], $0x80, v3, vm0, $0xb8;
	[tilespmem:$0x10080] =	vst v63  }
0x8e: {  	v3 =	vld [tilespmem:$0x10];
	_ =	sdelay $0x4  }
0x8f: {  	v53 =	vshll.u32 v3, $0x3  }
0x90: {  	v3 =	vand.u32 $0x7, v3;
	v4 =	vand.u32 $0xFFFFFFC0, v53  }
0x91: {  	v3 =	vor.u32 v3, v4  }
0x92: {  	v4 =	vperm.xlane v3, v0;
	_ =	sdelay $0x1  }
0x93: {  	v4 =	vadd.s32 v1, v4;
	_ =	sdelay $0x3  }
0x94: {  	s16 =	simm.s32 $0x4080  }
0x95: {  	[tilespmem:s16], [sflag:$0x1] =	stream.indirect_vreg.gather [hbm4b:s3+s2], $0x80, v4, vm0, $0xb8;
	[tilespmem:$0x10080] =	vst v63  }
0x96: {  	s31 =	simm.s32 $0x4880;
	v3 =	vperm.xlane v3, v2  }
0x97: {  	[tilespmem:s31], [sflag:$0x1] =	stream.indirect_vreg.gather [hbm4b:s4+s2], $0x80, v4, vm0, $0xb8;
	[tilespmem:$0x10080] =	vst v63  }
0x98: {  	s13 =	simm.s32 $0x5080;
	v3 =	vadd.s32 v1, v3  }
0x99: {  	[tilespmem:s13], [sflag:$0x1] =	stream.indirect_vreg.gather [hbm4b:s5+s2], $0x80, v4, vm0, $0xb8;
	[tilespmem:$0x10080] =	vst v63  }
0x9a: {  	s31 =	simm.s32 $0x5880  }
0x9b: {  	[tilespmem:s31], [sflag:$0x1] =	stream.indirect_vreg.gather [hbm4b:s6+s2], $0x80, v4, vm0, $0xb8;
	[tilespmem:$0x10080] =	vst v63  }
0x9c: {  	s0 =	simm.s32 $0x6080  }
0x9d: {  	[tilespmem:s0], [sflag:$0x1] =	stream.indirect_vreg.gather [hbm4b:s3+s2], $0x80, v3, vm0, $0xb8;
	[tilespmem:$0x10080] =	vst v63  }
0x9e: {  	s1 =	simm.s32 $0x6880  }
0x9f: {  	[tilespmem:s1], [sflag:$0x1] =	stream.indirect_vreg.gather [hbm4b:s4+s2], $0x80, v3, vm0, $0xb8;
	[tilespmem:$0x10080] =	vst v63  }
0xa0: {  	s9 =	simm.s32 $0x7080  }
0xa1: {  	[tilespmem:s9], [sflag:$0x1] =	stream.indirect_vreg.gather [hbm4b:s5+s2], $0x80, v3, vm0, $0xb8;
	[tilespmem:$0x10080] =	vst v63  }
0xa2: {  	s13 =	simm.s32 $0x7880  }
0xa3: {  	[tilespmem:s13], [sflag:$0x1] =	stream.indirect_vreg.gather [hbm4b:s6+s2], $0x80, v3, vm0, $0xb8;
	[tilespmem:$0x10080] =	vst v63  }
0xa4: {  	v3 =	vld [tilespmem:$0x20];
	_ =	sdelay $0x4  }
0xa5: {  	v54 =	vshll.u32 v3, $0x3  }
0xa6: {  	v3 =	vand.u32 $0x7, v3;
	v4 =	vand.u32 $0xFFFFFFC0, v54  }
0xa7: {  	v3 =	vor.u32 v3, v4  }
0xa8: {  	v4 =	vperm.xlane v3, v0;
	_ =	sdelay $0x1  }
0xa9: {  	v4 =	vadd.s32 v1, v4;
	_ =	sdelay $0x3  }
0xaa: {  	s14 =	simm.s32 $0x8080  }
0xab: {  	[tilespmem:s14], [sflag:$0x1] =	stream.indirect_vreg.gather [hbm4b:s3+s2], $0x80, v4, vm0, $0xb8;
	[tilespmem:$0x10080] =	vst v63  }
0xac: {  	s15 =	simm.s32 $0x8880;
	v3 =	vperm.xlane v3, v2  }
0xad: {  	[tilespmem:s15], [sflag:$0x1] =	stream.indirect_vreg.gather [hbm4b:s4+s2], $0x80, v4, vm0, $0xb8;
	[tilespmem:$0x10080] =	vst v63  }
0xae: {  	s10 =	simm.s32 $0x9080;
	v3 =	vadd.s32 v1, v3  }
0xaf: {  	[tilespmem:s10], [sflag:$0x1] =	stream.indirect_vreg.gather [hbm4b:s5+s2], $0x80, v4, vm0, $0xb8;
	[tilespmem:$0x10080] =	vst v63  }
0xb0: {  	s11 =	simm.s32 $0x9880  }
0xb1: {  	[tilespmem:s11], [sflag:$0x1] =	stream.indirect_vreg.gather [hbm4b:s6+s2], $0x80, v4, vm0, $0xb8;
	[tilespmem:$0x10080] =	vst v63  }
0xb2: {  	s12 =	simm.s32 $0xA080  }
0xb3: {  	[tilespmem:s12], [sflag:$0x1] =	stream.indirect_vreg.gather [hbm4b:s3+s2], $0x80, v3, vm0, $0xb8;
	[tilespmem:$0x10080] =	vst v63  }
0xb4: {  	s30 =	simm.s32 $0xA880  }
0xb5: {  	[tilespmem:s30], [sflag:$0x1] =	stream.indirect_vreg.gather [hbm4b:s4+s2], $0x80, v3, vm0, $0xb8;
	[tilespmem:$0x10080] =	vst v63  }
0xb6: {  	s28 =	simm.s32 $0xB080  }
0xb7: {  	[tilespmem:s28], [sflag:$0x1] =	stream.indirect_vreg.gather [hbm4b:s5+s2], $0x80, v3, vm0, $0xb8;
	[tilespmem:$0x10080] =	vst v63  }
0xb8: {  	s20 =	simm.s32 $0xB880  }
0xb9: {  	[tilespmem:s20], [sflag:$0x1] =	stream.indirect_vreg.gather [hbm4b:s6+s2], $0x80, v3, vm0, $0xb8;
	[tilespmem:$0x10080] =	vst v63  }
0xba: {  	v3 =	vld [tilespmem:$0x30];
	_ =	sdelay $0x4  }
0xbb: {  	v55 =	vshll.u32 v3, $0x3  }
0xbc: {  	v3 =	vand.u32 $0x7, v3;
	v4 =	vand.u32 $0xFFFFFFC0, v55  }
0xbd: {  	v3 =	vor.u32 v3, v4  }
0xbe: {  	v4 =	vperm.xlane v3, v0;
	_ =	sdelay $0x1  }
0xbf: {  	v4 =	vadd.s32 v1, v4;
	_ =	sdelay $0x3  }
0xc0: {  	s21 =	simm.s32 $0xC080  }
0xc1: {  	[tilespmem:s21], [sflag:$0x1] =	stream.indirect_vreg.gather [hbm4b:s3+s2], $0x80, v4, vm0, $0xb8;
	[tilespmem:$0x10080] =	vst v63  }
0xc2: {  	s22 =	simm.s32 $0xC880;
	v3 =	vperm.xlane v3, v2  }
0xc3: {  	[tilespmem:s22], [sflag:$0x1] =	stream.indirect_vreg.gather [hbm4b:s4+s2], $0x80, v4, vm0, $0xb8;
	[tilespmem:$0x10080] =	vst v63  }
0xc4: {  	v3 =	vadd.s32 v1, v3;
	s22 =	simm.s32 $0xD080  }
0xc5: {  	[tilespmem:s22], [sflag:$0x1] =	stream.indirect_vreg.gather [hbm4b:s5+s2], $0x80, v4, vm0, $0xb8;
	[tilespmem:$0x10080] =	vst v63  }
0xc6: {  	s26 =	simm.s32 $0xD880  }
0xc7: {  	[tilespmem:s26], [sflag:$0x1] =	stream.indirect_vreg.gather [hbm4b:s6+s2], $0x80, v4, vm0, $0xb8;
	[tilespmem:$0x10080] =	vst v63  }
0xc8: {  	s29 =	simm.s32 $0xE080  }
0xc9: {  	[tilespmem:s29], [sflag:$0x1] =	stream.indirect_vreg.gather [hbm4b:s3+s2], $0x80, v3, vm0, $0xb8;
	[tilespmem:$0x10080] =	vst v63  }
0xca: {  	s26 =	simm.s32 $0xE880  }
0xcb: {  	[tilespmem:s26], [sflag:$0x1] =	stream.indirect_vreg.gather [hbm4b:s4+s2], $0x80, v3, vm0, $0xb8;
	[tilespmem:$0x10080] =	vst v63  }
0xcc: {  	s30 =	simm.s32 $0xF080  }
0xcd: {  	[tilespmem:s30], [sflag:$0x1] =	stream.indirect_vreg.gather [hbm4b:s5+s2], $0x80, v3, vm0, $0xb8;
	[tilespmem:$0x10080] =	vst v63  }
0xce: {  	s17 =	simm.s32 $0xF880  }
0xcf: {  	[tilespmem:s17], [sflag:$0x1] =	stream.indirect_vreg.gather [hbm4b:s6+s2], $0x80, v3, vm0, $0xb8;
	[tilespmem:$0x10080] =	vst v63  }
0xd0: {  	_ =	swait.ge [sflag:s18], $0x10000  }
0xd1: {  	[sflag:s18] =	ssyncset.done $0x0  }
0xd2: {  	s21 =	rddreg [dreg:$0x5];
	[sflag:s18] =	ssyncadd.s32 $0xFFFF0000  }
0xd3: {  	[hbm4b:s21+s2] =	stream.linear.scatter [tilespmem:s23], [sflag:$0x2], $0x10000, $0x38;
	[tilespmem:$0x10080] =	vst v63  }
0xd4: {  	_ =	swait.ge [sflag:s8], $0x10000  }
0xd5: {  	[sflag:s8] =	ssyncset.done $0x0  }
0xd6: {  	s17 =	rddreg [dreg:$0x6];
	[sflag:s8] =	ssyncadd.s32 $0xFFFF0000  }
0xd7: {  	[tilespmem:s2], [sflag:$0x2] =	stream.linear.gather [hbm4b:s17+s2], $0x40, $0x38;
	[tilespmem:$0x10080] =	vst v63  }
0xd8: {  	_ =	swait.ge [sflag:s8], $0x40  }
0xd9: {  	[sflag:s8] =	ssyncset.done $0x0  }
0xda: {  	[sflag:s8] =	ssyncadd.s32 $0xFFFFFFC0  }
0xdb: {  	v3 =	vld [tilespmem:$0x0];
	_ =	sdelay $0x4  }
0xdc: {  	v56 =	vshll.u32 v3, $0x3  }
0xdd: {  	v3 =	vand.u32 $0x7, v3;
	v4 =	vand.u32 $0xFFFFFFC0, v56  }
0xde: {  	v3 =	vor.u32 v3, v4  }
0xdf: {  	v4 =	vperm.xlane v3, v0;
	_ =	sdelay $0x1  }
0xe0: {  	v4 =	vadd.s32 v1, v4;
	_ =	sdelay $0x4  }
0xe1: {  	[tilespmem:s23], [sflag:$0x1] =	stream.indirect_vreg.gather [hbm4b:s3+s2], $0x80, v4, vm0, $0xb8;
	[tilespmem:$0x10080] =	vst v63  }
0xe2: {  	s21 =	simm.s32 $0x880;
	v3 =	vperm.xlane v3, v2  }
0xe3: {  	[tilespmem:s21], [sflag:$0x1] =	stream.indirect_vreg.gather [hbm4b:s4+s2], $0x80, v4, vm0, $0xb8;
	[tilespmem:$0x10080] =	vst v63  }
0xe4: {  	s25 =	simm.s32 $0x1080;
	v3 =	vadd.s32 v1, v3  }
0xe5: {  	[tilespmem:s25], [sflag:$0x1] =	stream.indirect_vreg.gather [hbm4b:s5+s2], $0x80, v4, vm0, $0xb8;
	[tilespmem:$0x10080] =	vst v63  }
0xe6: {  	s25 =	simm.s32 $0x1880  }
0xe7: {  	[tilespmem:s25], [sflag:$0x1] =	stream.indirect_vreg.gather [hbm4b:s6+s2], $0x80, v4, vm0, $0xb8;
	[tilespmem:$0x10080] =	vst v63  }
0xe8: {  	s19 =	simm.s32 $0x2080  }
0xe9: {  	[tilespmem:s19], [sflag:$0x1] =	stream.indirect_vreg.gather [hbm4b:s3+s2], $0x80, v3, vm0, $0xb8;
	[tilespmem:$0x10080] =	vst v63  }
0xea: {  	s25 =	simm.s32 $0x2880  }
0xeb: {  	[tilespmem:s25], [sflag:$0x1] =	stream.indirect_vreg.gather [hbm4b:s4+s2], $0x80, v3, vm0, $0xb8;
	[tilespmem:$0x10080] =	vst v63  }
0xec: {  	s19 =	simm.s32 $0x3080  }
0xed: {  	[tilespmem:s19], [sflag:$0x1] =	stream.indirect_vreg.gather [hbm4b:s5+s2], $0x80, v3, vm0, $0xb8;
	[tilespmem:$0x10080] =	vst v63  }
0xee: {  	s25 =	simm.s32 $0x3880  }
0xef: {  	[tilespmem:s25], [sflag:$0x1] =	stream.indirect_vreg.gather [hbm4b:s6+s2], $0x80, v3, vm0, $0xb8;
	[tilespmem:$0x10080] =	vst v63  }
0xf0: {  	v3 =	vld [tilespmem:$0x10];
	_ =	sdelay $0x4  }
0xf1: {  	v57 =	vshll.u32 v3, $0x3  }
0xf2: {  	v3 =	vand.u32 $0x7, v3;
	v4 =	vand.u32 $0xFFFFFFC0, v57  }
0xf3: {  	v3 =	vor.u32 v3, v4  }
0xf4: {  	v4 =	vperm.xlane v3, v0;
	_ =	sdelay $0x1  }
0xf5: {  	v4 =	vadd.s32 v1, v4;
	_ =	sdelay $0x4  }
0xf6: {  	[tilespmem:s16], [sflag:$0x1] =	stream.indirect_vreg.gather [hbm4b:s3+s2], $0x80, v4, vm0, $0xb8;
	[tilespmem:$0x10080] =	vst v63  }
0xf7: {  	s19 =	simm.s32 $0x4880;
	v3 =	vperm.xlane v3, v2  }
0xf8: {  	[tilespmem:s19], [sflag:$0x1] =	stream.indirect_vreg.gather [hbm4b:s4+s2], $0x80, v4, vm0, $0xb8;
	[tilespmem:$0x10080] =	vst v63  }
0xf9: {  	s25 =	simm.s32 $0x5080;
	v3 =	vadd.s32 v1, v3  }
0xfa: {  	[tilespmem:s25], [sflag:$0x1] =	stream.indirect_vreg.gather [hbm4b:s5+s2], $0x80, v4, vm0, $0xb8;
	[tilespmem:$0x10080] =	vst v63  }
0xfb: {  	_ = 	snop  }
0xfc: {  	[tilespmem:s31], [sflag:$0x1] =	stream.indirect_vreg.gather [hbm4b:s6+s2], $0x80, v4, vm0, $0xb8;
	[tilespmem:$0x10080] =	vst v63  }
0xfd: {  	_ = 	snop  }
0xfe: {  	[tilespmem:s0], [sflag:$0x1] =	stream.indirect_vreg.gather [hbm4b:s3+s2], $0x80, v3, vm0, $0xb8;
	[tilespmem:$0x10080] =	vst v63  }
0xff: {  	_ = 	snop  }
0x100: {  	[tilespmem:s1], [sflag:$0x1] =	stream.indirect_vreg.gather [hbm4b:s4+s2], $0x80, v3, vm0, $0xb8;
	[tilespmem:$0x10080] =	vst v63  }
0x101: {  	_ = 	snop  }
0x102: {  	[tilespmem:s9], [sflag:$0x1] =	stream.indirect_vreg.gather [hbm4b:s5+s2], $0x80, v3, vm0, $0xb8;
	[tilespmem:$0x10080] =	vst v63  }
0x103: {  	_ = 	snop  }
0x104: {  	[tilespmem:s13], [sflag:$0x1] =	stream.indirect_vreg.gather [hbm4b:s6+s2], $0x80, v3, vm0, $0xb8;
	[tilespmem:$0x10080] =	vst v63  }
0x105: {  	v3 =	vld [tilespmem:$0x20];
	_ =	sdelay $0x4  }
0x106: {  	v58 =	vshll.u32 v3, $0x3  }
0x107: {  	v3 =	vand.u32 $0x7, v3;
	v4 =	vand.u32 $0xFFFFFFC0, v58  }
0x108: {  	v3 =	vor.u32 v3, v4  }
0x109: {  	v4 =	vperm.xlane v3, v0;
	_ =	sdelay $0x1  }
0x10a: {  	v4 =	vadd.s32 v1, v4;
	_ =	sdelay $0x4  }
0x10b: {  	[tilespmem:s14], [sflag:$0x1] =	stream.indirect_vreg.gather [hbm4b:s3+s2], $0x80, v4, vm0, $0xb8;
	[tilespmem:$0x10080] =	vst v63  }
0x10c: {  	v3 =	vperm.xlane v3, v2  }
0x10d: {  	[tilespmem:s15], [sflag:$0x1] =	stream.indirect_vreg.gather [hbm4b:s4+s2], $0x80, v4, vm0, $0xb8;
	[tilespmem:$0x10080] =	vst v63  }
0x10e: {  	v3 =	vadd.s32 v1, v3  }
0x10f: {  	[tilespmem:s10], [sflag:$0x1] =	stream.indirect_vreg.gather [hbm4b:s5+s2], $0x80, v4, vm0, $0xb8;
	[tilespmem:$0x10080] =	vst v63  }
0x110: {  	_ = 	snop  }
0x111: {  	[tilespmem:s11], [sflag:$0x1] =	stream.indirect_vreg.gather [hbm4b:s6+s2], $0x80, v4, vm0, $0xb8;
	[tilespmem:$0x10080] =	vst v63  }
0x112: {  	_ = 	snop  }
0x113: {  	[tilespmem:s12], [sflag:$0x1] =	stream.indirect_vreg.gather [hbm4b:s3+s2], $0x80, v3, vm0, $0xb8;
	[tilespmem:$0x10080] =	vst v63  }
0x114: {  	s24 =	simm.s32 $0xA880  }
0x115: {  	[tilespmem:s24], [sflag:$0x1] =	stream.indirect_vreg.gather [hbm4b:s4+s2], $0x80, v3, vm0, $0xb8;
	[tilespmem:$0x10080] =	vst v63  }
0x116: {  	s28 =	simm.s32 $0xB080  }
0x117: {  	[tilespmem:s28], [sflag:$0x1] =	stream.indirect_vreg.gather [hbm4b:s5+s2], $0x80, v3, vm0, $0xb8;
	[tilespmem:$0x10080] =	vst v63  }
0x118: {  	s28 =	simm.s32 $0xB880  }
0x119: {  	[tilespmem:s28], [sflag:$0x1] =	stream.indirect_vreg.gather [hbm4b:s6+s2], $0x80, v3, vm0, $0xb8;
	[tilespmem:$0x10080] =	vst v63  }
0x11a: {  	v3 =	vld [tilespmem:$0x30];
	_ =	sdelay $0x4  }
0x11b: {  	v59 =	vshll.u32 v3, $0x3  }
0x11c: {  	v3 =	vand.u32 $0x7, v3;
	v4 =	vand.u32 $0xFFFFFFC0, v59  }
0x11d: {  	v3 =	vor.u32 v3, v4  }
0x11e: {  	v4 =	vperm.xlane v3, v0;
	_ =	sdelay $0x1  }
0x11f: {  	v4 =	vadd.s32 v1, v4;
	_ =	sdelay $0x3  }
0x120: {  	s24 =	simm.s32 $0xC080  }
0x121: {  	[tilespmem:s24], [sflag:$0x1] =	stream.indirect_vreg.gather [hbm4b:s3+s2], $0x80, v4, vm0, $0xb8;
	[tilespmem:$0x10080] =	vst v63  }
0x122: {  	s25 =	simm.s32 $0xC880;
	v3 =	vperm.xlane v3, v2  }
0x123: {  	[tilespmem:s25], [sflag:$0x1] =	stream.indirect_vreg.gather [hbm4b:s4+s2], $0x80, v4, vm0, $0xb8;
	[tilespmem:$0x10080] =	vst v63  }
0x124: {  	s20 =	simm.s32 $0xD080;
	v3 =	vadd.s32 v1, v3  }
0x125: {  	[tilespmem:s20], [sflag:$0x1] =	stream.indirect_vreg.gather [hbm4b:s5+s2], $0x80, v4, vm0, $0xb8;
	[tilespmem:$0x10080] =	vst v63  }
0x126: {  	s22 =	simm.s32 $0xD880  }
0x127: {  	[tilespmem:s22], [sflag:$0x1] =	stream.indirect_vreg.gather [hbm4b:s6+s2], $0x80, v4, vm0, $0xb8;
	[tilespmem:$0x10080] =	vst v63  }
0x128: {  	s29 =	simm.s32 $0xE080  }
0x129: {  	[tilespmem:s29], [sflag:$0x1] =	stream.indirect_vreg.gather [hbm4b:s3+s2], $0x80, v3, vm0, $0xb8;
	[tilespmem:$0x10080] =	vst v63  }
0x12a: {  	s26 =	simm.s32 $0xE880  }
0x12b: {  	[tilespmem:s26], [sflag:$0x1] =	stream.indirect_vreg.gather [hbm4b:s4+s2], $0x80, v3, vm0, $0xb8;
	[tilespmem:$0x10080] =	vst v63  }
0x12c: {  	s30 =	simm.s32 $0xF080  }
0x12d: {  	[tilespmem:s30], [sflag:$0x1] =	stream.indirect_vreg.gather [hbm4b:s5+s2], $0x80, v3, vm0, $0xb8;
	[tilespmem:$0x10080] =	vst v63  }
0x12e: {  	s26 =	simm.s32 $0xF880  }
0x12f: {  	[tilespmem:s26], [sflag:$0x1] =	stream.indirect_vreg.gather [hbm4b:s6+s2], $0x80, v3, vm0, $0xb8;
	[tilespmem:$0x10080] =	vst v63  }
0x130: {  	_ =	swait.ge [sflag:s18], $0x10000  }
0x131: {  	[sflag:s18] =	ssyncset.done $0x0  }
0x132: {  	s29 =	rddreg [dreg:$0x7];
	[sflag:s18] =	ssyncadd.s32 $0xFFFF0000  }
0x133: {  	[hbm4b:s29+s2] =	stream.linear.scatter [tilespmem:s23], [sflag:$0x2], $0x10000, $0x38;
	[tilespmem:$0x10080] =	vst v63  }
0x134: {  	_ =	swait.ge [sflag:s8], $0x10000  }
0x135: {  	[sflag:s8] =	ssyncset.done $0x0  }
0x136: {  	s30 =	rddreg [dreg:$0x8];
	[sflag:s8] =	ssyncadd.s32 $0xFFFF0000  }
0x137: {  	[tilespmem:s2], [sflag:$0x2] =	stream.linear.gather [hbm4b:s30+s2], $0x40, $0x38;
	[tilespmem:$0x10080] =	vst v63  }
0x138: {  	_ =	swait.ge [sflag:s8], $0x40  }
0x139: {  	[sflag:s8] =	ssyncset.done $0x0  }
0x13a: {  	[sflag:s8] =	ssyncadd.s32 $0xFFFFFFC0  }
0x13b: {  	v3 =	vld [tilespmem:$0x0];
	_ =	sdelay $0x4  }
0x13c: {  	v60 =	vshll.u32 v3, $0x3  }
0x13d: {  	v3 =	vand.u32 $0x7, v3;
	v4 =	vand.u32 $0xFFFFFFC0, v60  }
0x13e: {  	v3 =	vor.u32 v3, v4  }
0x13f: {  	v4 =	vperm.xlane v3, v0;
	_ =	sdelay $0x1  }
0x140: {  	v4 =	vadd.s32 v1, v4;
	_ =	sdelay $0x4  }
0x141: {  	[tilespmem:s23], [sflag:$0x1] =	stream.indirect_vreg.gather [hbm4b:s3+s2], $0x80, v4, vm0, $0xb8;
	[tilespmem:$0x10080] =	vst v63  }
0x142: {  	s29 =	simm.s32 $0x880;
	v3 =	vperm.xlane v3, v2  }
0x143: {  	[tilespmem:s29], [sflag:$0x1] =	stream.indirect_vreg.gather [hbm4b:s4+s2], $0x80, v4, vm0, $0xb8;
	[tilespmem:$0x10080] =	vst v63  }
0x144: {  	s21 =	simm.s32 $0x1080;
	v3 =	vadd.s32 v1, v3  }
0x145: {  	[tilespmem:s21], [sflag:$0x1] =	stream.indirect_vreg.gather [hbm4b:s5+s2], $0x80, v4, vm0, $0xb8;
	[tilespmem:$0x10080] =	vst v63  }
0x146: {  	s30 =	simm.s32 $0x1880  }
0x147: {  	[tilespmem:s30], [sflag:$0x1] =	stream.indirect_vreg.gather [hbm4b:s6+s2], $0x80, v4, vm0, $0xb8;
	[tilespmem:$0x10080] =	vst v63  }
0x148: {  	s21 =	simm.s32 $0x2080  }
0x149: {  	[tilespmem:s21], [sflag:$0x1] =	stream.indirect_vreg.gather [hbm4b:s3+s2], $0x80, v3, vm0, $0xb8;
	[tilespmem:$0x10080] =	vst v63  }
0x14a: {  	s29 =	simm.s32 $0x2880  }
0x14b: {  	[tilespmem:s29], [sflag:$0x1] =	stream.indirect_vreg.gather [hbm4b:s4+s2], $0x80, v3, vm0, $0xb8;
	[tilespmem:$0x10080] =	vst v63  }
0x14c: {  	s30 =	simm.s32 $0x3080  }
0x14d: {  	[tilespmem:s30], [sflag:$0x1] =	stream.indirect_vreg.gather [hbm4b:s5+s2], $0x80, v3, vm0, $0xb8;
	[tilespmem:$0x10080] =	vst v63  }
0x14e: {  	s21 =	simm.s32 $0x3880  }
0x14f: {  	[tilespmem:s21], [sflag:$0x1] =	stream.indirect_vreg.gather [hbm4b:s6+s2], $0x80, v3, vm0, $0xb8;
	[tilespmem:$0x10080] =	vst v63  }
0x150: {  	v3 =	vld [tilespmem:$0x10];
	_ =	sdelay $0x4  }
0x151: {  	v61 =	vshll.u32 v3, $0x3  }
0x152: {  	v3 =	vand.u32 $0x7, v3;
	v4 =	vand.u32 $0xFFFFFFC0, v61  }
0x153: {  	v3 =	vor.u32 v3, v4  }
0x154: {  	v4 =	vperm.xlane v3, v0;
	_ =	sdelay $0x1  }
0x155: {  	v4 =	vadd.s32 v1, v4;
	_ =	sdelay $0x3  }
0x156: {  	s16 =	simm.s32 $0x4080  }
0x157: {  	[tilespmem:s16], [sflag:$0x1] =	stream.indirect_vreg.gather [hbm4b:s3+s2], $0x80, v4, vm0, $0xb8;
	[tilespmem:$0x10080] =	vst v63  }
0x158: {  	s29 =	simm.s32 $0x4880;
	v3 =	vperm.xlane v3, v2  }
0x159: {  	[tilespmem:s29], [sflag:$0x1] =	stream.indirect_vreg.gather [hbm4b:s4+s2], $0x80, v4, vm0, $0xb8;
	[tilespmem:$0x10080] =	vst v63  }
0x15a: {  	s30 =	simm.s32 $0x5080;
	v3 =	vadd.s32 v1, v3  }
0x15b: {  	[tilespmem:s30], [sflag:$0x1] =	stream.indirect_vreg.gather [hbm4b:s5+s2], $0x80, v4, vm0, $0xb8;
	[tilespmem:$0x10080] =	vst v63  }
0x15c: {  	s17 =	simm.s32 $0x5880  }
0x15d: {  	[tilespmem:s17], [sflag:$0x1] =	stream.indirect_vreg.gather [hbm4b:s6+s2], $0x80, v4, vm0, $0xb8;
	[tilespmem:$0x10080] =	vst v63  }
0x15e: {  	s0 =	simm.s32 $0x6080  }
0x15f: {  	[tilespmem:s0], [sflag:$0x1] =	stream.indirect_vreg.gather [hbm4b:s3+s2], $0x80, v3, vm0, $0xb8;
	[tilespmem:$0x10080] =	vst v63  }
0x160: {  	s1 =	simm.s32 $0x6880  }
0x161: {  	[tilespmem:s1], [sflag:$0x1] =	stream.indirect_vreg.gather [hbm4b:s4+s2], $0x80, v3, vm0, $0xb8;
	[tilespmem:$0x10080] =	vst v63  }
0x162: {  	s9 =	simm.s32 $0x7080  }
0x163: {  	[tilespmem:s9], [sflag:$0x1] =	stream.indirect_vreg.gather [hbm4b:s5+s2], $0x80, v3, vm0, $0xb8;
	[tilespmem:$0x10080] =	vst v63  }
0x164: {  	s13 =	simm.s32 $0x7880  }
0x165: {  	[tilespmem:s13], [sflag:$0x1] =	stream.indirect_vreg.gather [hbm4b:s6+s2], $0x80, v3, vm0, $0xb8;
	[tilespmem:$0x10080] =	vst v63  }
0x166: {  	v3 =	vld [tilespmem:$0x20];
	_ =	sdelay $0x4  }
0x167: {  	v62 =	vshll.u32 v3, $0x3  }
0x168: {  	v3 =	vand.u32 $0x7, v3;
	v4 =	vand.u32 $0xFFFFFFC0, v62  }
0x169: {  	v3 =	vor.u32 v3, v4  }
0x16a: {  	v4 =	vperm.xlane v3, v0;
	_ =	sdelay $0x1  }
0x16b: {  	v4 =	vadd.s32 v1, v4;
	_ =	sdelay $0x3  }
0x16c: {  	s14 =	simm.s32 $0x8080  }
0x16d: {  	[tilespmem:s14], [sflag:$0x1] =	stream.indirect_vreg.gather [hbm4b:s3+s2], $0x80, v4, vm0, $0xb8;
	[tilespmem:$0x10080] =	vst v63  }
0x16e: {  	s15 =	simm.s32 $0x8880;
	v3 =	vperm.xlane v3, v2  }
0x16f: {  	[tilespmem:s15], [sflag:$0x1] =	stream.indirect_vreg.gather [hbm4b:s4+s2], $0x80, v4, vm0, $0xb8;
	[tilespmem:$0x10080] =	vst v63  }
0x170: {  	s10 =	simm.s32 $0x9080;
	v3 =	vadd.s32 v1, v3  }
0x171: {  	[tilespmem:s10], [sflag:$0x1] =	stream.indirect_vreg.gather [hbm4b:s5+s2], $0x80, v4, vm0, $0xb8;
	[tilespmem:$0x10080] =	vst v63  }
0x172: {  	s11 =	simm.s32 $0x9880  }
0x173: {  	[tilespmem:s11], [sflag:$0x1] =	stream.indirect_vreg.gather [hbm4b:s6+s2], $0x80, v4, vm0, $0xb8;
	[tilespmem:$0x10080] =	vst v63  }
0x174: {  	s12 =	simm.s32 $0xA080  }
0x175: {  	[tilespmem:s12], [sflag:$0x1] =	stream.indirect_vreg.gather [hbm4b:s3+s2], $0x80, v3, vm0, $0xb8;
	[tilespmem:$0x10080] =	vst v63  }
0x176: {  	s31 =	simm.s32 $0xA880  }
0x177: {  	[tilespmem:s31], [sflag:$0x1] =	stream.indirect_vreg.gather [hbm4b:s4+s2], $0x80, v3, vm0, $0xb8;
	[tilespmem:$0x10080] =	vst v63  }
0x178: {  	s19 =	simm.s32 $0xB080  }
0x179: {  	[tilespmem:s19], [sflag:$0x1] =	stream.indirect_vreg.gather [hbm4b:s5+s2], $0x80, v3, vm0, $0xb8;
	[tilespmem:$0x10080] =	vst v63  }
0x17a: {  	s21 =	simm.s32 $0xB880  }
0x17b: {  	[tilespmem:s21], [sflag:$0x1] =	stream.indirect_vreg.gather [hbm4b:s6+s2], $0x80, v3, vm0, $0xb8;
	[tilespmem:$0x10080] =	vst v63  }
0x17c: {  	v3 =	vld [tilespmem:$0x30];
	_ =	sdelay $0x4  }
0x17d: {  	v63 =	vshll.u32 v3, $0x3  }
0x17e: {  	v3 =	vand.u32 $0x7, v3;
	v4 =	vand.u32 $0xFFFFFFC0, v63  }
0x17f: {  	v3 =	vor.u32 v3, v4  }
0x180: {  	v4 =	vperm.xlane v3, v0;
	_ =	sdelay $0x1  }
0x181: {  	v4 =	vadd.s32 v1, v4;
	_ =	sdelay $0x3  }
0x182: {  	s29 =	simm.s32 $0xC080  }
0x183: {  	[tilespmem:s29], [sflag:$0x1] =	stream.indirect_vreg.gather [hbm4b:s3+s2], $0x80, v4, vm0, $0xb8;
	[tilespmem:$0x10080] =	vst v63  }
0x184: {  	s30 =	simm.s32 $0xC880;
	v3 =	vperm.xlane v3, v2  }
0x185: {  	[tilespmem:s30], [sflag:$0x1] =	stream.indirect_vreg.gather [hbm4b:s4+s2], $0x80, v4, vm0, $0xb8;
	[tilespmem:$0x10080] =	vst v63  }
0x186: {  	s28 =	simm.s32 $0xD080;
	v3 =	vadd.s32 v1, v3  }
0x187: {  	[tilespmem:s28], [sflag:$0x1] =	stream.indirect_vreg.gather [hbm4b:s5+s2], $0x80, v4, vm0, $0xb8;
	[tilespmem:$0x10080] =	vst v63  }
0x188: {  	s20 =	simm.s32 $0xD880  }
0x189: {  	[tilespmem:s20], [sflag:$0x1] =	stream.indirect_vreg.gather [hbm4b:s6+s2], $0x80, v4, vm0, $0xb8;
	[tilespmem:$0x10080] =	vst v63  }
0x18a: {  	s24 =	simm.s32 $0xE080  }
0x18b: {  	[tilespmem:s24], [sflag:$0x1] =	stream.indirect_vreg.gather [hbm4b:s3+s2], $0x80, v3, vm0, $0xb8;
	[tilespmem:$0x10080] =	vst v63  }
0x18c: {  	s22 =	simm.s32 $0xE880  }
0x18d: {  	[tilespmem:s22], [sflag:$0x1] =	stream.indirect_vreg.gather [hbm4b:s4+s2], $0x80, v3, vm0, $0xb8;
	[tilespmem:$0x10080] =	vst v63  }
0x18e: {  	s25 =	simm.s32 $0xF080  }
0x18f: {  	[tilespmem:s25], [sflag:$0x1] =	stream.indirect_vreg.gather [hbm4b:s5+s2], $0x80, v3, vm0, $0xb8;
	[tilespmem:$0x10080] =	vst v63  }
0x190: {  	s26 =	simm.s32 $0xF880  }
0x191: {  	[tilespmem:s26], [sflag:$0x1] =	stream.indirect_vreg.gather [hbm4b:s6+s2], $0x80, v3, vm0, $0xb8;
	[tilespmem:$0x10080] =	vst v63  }
0x192: {  	_ =	swait.ge [sflag:s18], $0x10000  }
0x193: {  	p0 =	sne.s32 s7, $0x1;
	[sflag:s18] =	ssyncset.done $0x0  }
.Ltmp0:
0x194: {  	s31 =	rddreg [dreg:$0x9];
	[sflag:s18] =	ssyncadd.s32 $0xFFFF0000;
	(pc) =	sbr.rel @p0 .LBB2_1-.Ltmp0, $4  }
0x195: {  	[hbm4b:s31+s2] =	stream.linear.scatter [tilespmem:s23], [sflag:$0x2], $0x10000, $0x38;
	[tilespmem:$0x10080] =	vst v63  }
0x196: {  	_ =	swait.ge [sflag:s8], $0x10000  }
0x197: {  	[sflag:s8] =	ssyncset.done $0x0  }
0x198: {  	s7 =	sadd.s32 $0xFFFFFFFF, s7;
	[sflag:s8] =	ssyncadd.s32 $0xFFFF0000  }
0x199: {  	_ =	sfence.sel $0x180000  }
0x19a: {  	[bflag:$0x0] =	sbarrier.arrive $0xFFFF  }
0x19b: {  	_ =	strace $0x9000004A  }
0x19c: {  	s0 =	stileid.u32;
	[bflag:$0x2] =	sbarrier.arrive $0xFFFF  }
0x19d: {  	p0 =	sne.s32 s0, $0x0;
	s0 =	rddreg [dreg:$0x1]  }
0x19e: {  	s0 =	sadd.s32 @!p0 $0x100000, s0  }
0x19f: {  	[sflag:s0] =	ssyncadd.tile.s32 @!p0 $0x1;
	_ =	shalt  }
.Lfunc_end2:
_tile_overlayer_lowered:
.L_overlay_start_2:
0x1a0: {  	(tag) =	ssettag $0x2  }
0x1a1: {  	s0 =	rddreg [dreg:$0x0];
	s2 =	stileid.u32  }
0x1a2: {  	s1 =	rddreg [dreg:$0x1];
	p0 =	sne.s32 s2, $0x0  }
0x1a3: {  	s3 =	rddreg [dreg:$0x2];
	[bflag:$0x3] =	sbarrier.arrive $0xFFFF;
	s2 =	simm.s32 @!p0 $0x1C02  }
0x1a4: {  	[timem:s3], [sflag:s2] =	dma.local @!p0 [hbm:s0], s1  }
0x1a5: {  	s0 =	simm.s32 @!p0 $0x2  }
0x1a6: {  	_ =	swait.ge @!p0 [sflag:s0], s1  }
0x1a7: {  	s1 =	ssub.s32 @!p0 $0x0, s1;
	[sflag:s0] =	ssyncset.done @!p0 $0x0  }
0x1a8: {  	[sflag:s0] =	ssyncadd.s32 @!p0 s1  }
0x1a9: {  	[bflag:$0x3] =	sbarrier.arrive $0xFFFF  }
0x1aa: {  	_ =	shalt  }

// kernel: kernel.8.cloned.1.call-start
scs
__scs_entry_jumppad:
0x0: {  	(pc) =	sbr.rel $0x88, $3  }
0x1: {  	(tag) =	ssettag $0x0;
	lr =	simm.s32 $0x1  }
0x2: {  	[smem:$0x3F98] =	sst lr;
	_ =	strace $0xD0000000  }
0x3: {  	_ = 	snop  }
0x4: {  	_ = 	snop  }
0x5: {  	_ = 	snop  }
0x6: {  	_ = 	snop  }
0x7: {  	_ = 	snop  }
__scs_overlays_trampoline_lowered:
0x8: {  	[smem:$0x3FA7] =	sst s0  }
0x9: {  	[smem:$0x3FA8] =	sst s1  }
0xa: {  	[smem:$0x3FA9] =	sst s2  }
0xb: {  	[smem:$0x3FAA] =	sst s3  }
0xc: {  	[smem:$0x3FAB] =	sst s4  }
0xd: {  	[smem:$0x3FAC] =	sst s5  }
0xe: {  	[smem:$0x3FAD] =	sst s6  }
0xf: {  	[smem:$0x3FAE] =	sst s7  }
0x10: {  	[smem:$0x3FAF] =	sst s8  }
0x11: {  	[smem:$0x3FB0] =	sst s9;
	s0 =	simm.s32 @!p0 $0x0  }
0x12: {  	s1 =	sld [smem:$0x3F96];
	s0 =	simm.s32 @p0 $0x1  }
0x13: {  	[smem:$0x3FB1] =	sst s0;
	s0 =	simm.s32 @!p1 $0x0  }
0x14: {  	s2 =	sld [smem:$0x3F95];
	s0 =	simm.s32 @p1 $0x1  }
0x15: {  	[smem:$0x3FB2] =	sst s0;
	s0 =	simm.s32 @!p2 $0x0  }
0x16: {  	s3 =	sld [smem:$0x3FDB];
	s0 =	simm.s32 @p2 $0x1  }
0x17: {  	s4 =	simm.s32 $0x1BF5;
	[smem:$0x3FB4] =	sst s0  }
0x18: {  	s0 =	sld [smem:$0x3F97];
	_ =	swait.ge [sflag:s4], $0x0  }
0x19: {  	s7 =	sld [smem:$0x3F98]  }
0x1a: {  	s8 =	sadd.s32 $0xFFFFE003, lr  }
0x1b: {  	s9 =	sadd.s32 $0xFFFFFEF7, lr;
	s5 =	simm.s32 $0xFFFFFFFF;
	p2 =	slt.u32 s8, $0xFFFFF086  }
0x1c: {  	p1 =	slt.u32 s9, $0xF7A;
	s5 =	simm.s32 @!p2 $0x0  }
0x1d: {  	s5 =	simm.s32 @p1 $0x1;
	p0 =	seq.s32 s7, s2  }
0x1e: {  	s7 =	smul.u32 @!p0 $0xF7A, s2;
	p2 =	seq.s32 @!p0 s5, $0x0  }
0x1f: {  	s9 =	smul.u32 $0xF7A, s1;
	s8 =	simm.s32 @!p0 $0x1BF5;
	p2 =	por !p2, p0  }
0x20: {  	[sflag:s8] =	ssyncset.s32 @!p0 $0xFFFFF086;
	s6 =	sadd.s32 @!p0 s3, s7;
	s7 =	simm.s32 @!p0 $0x108  }
0x21: {  	s3 =	sadd.s32 s3, s9;
	s6 =	sadd.s32 @!p0 $0x88, s6;
	s7 =	simm.s32 @p2 $0x1082  }
0x22: {  	[simem:s7], [sflag:s8] =	dma.local @!p0 [hbm:s6], $0xF7A  }
0x23: {  	s9 =	sor.u32 $0xD0000000, s2;
	s6 =	simm.s32 $0x108;
	_ =	swait.ge @!p0 [sflag:s8], $0x0  }
0x24: {  	s3 =	sadd.s32 $0x88, s3;
	s6 =	simm.s32 @!p1 $0x1082;
	[sflag:s4] =	ssyncset.s32 $0xFFFFF086  }
0x25: {  	[simem:s6], [sflag:s4] =	dma.local [hbm:s3], $0xF7A  }
0x26: {  	[smem:$0x3F98] =	sst s1;
	(tag) =	ssettag s2;
	_ =	strace s9  }
0x27: {  	s1 =	sld [smem:$0x3FA8]  }
0x28: {  	s2 =	sld [smem:$0x3FA9]  }
0x29: {  	s4 =	sld [smem:$0x3FAB]  }
0x2a: {  	p0 =	seq.s32 s5, $0x0;
	s5 =	sld [smem:$0x3FAC]  }
0x2b: {  	s6 =	sld [smem:$0x3FAD]  }
0x2c: {  	s7 =	sld [smem:$0x3FAE]  }
0x2d: {  	s3 =	simm.s32 $0x108;
	s8 =	sld [smem:$0x3FAF]  }
0x2e: {  	s3 =	simm.s32 @!p0 $0x1082;
	s9 =	sld [smem:$0x3FB0]  }
0x2f: {  	lr =	sadd.s32 s0, s3;
	s0 =	sld [smem:$0x3FA7]  }
0x30: {  	s3 =	sld [smem:$0x3FAA]  }
0x31: {  	[smem:$0x3FB3] =	sst s10  }
0x32: {  	s10 =	sld [smem:$0x3FB1];
	_ =	sdelay $0x3  }
0x33: {  	p0 =	seq.s32 s10, $0x1;
	s10 =	sld [smem:$0x3FB3];
	_ =	sdelay $0x3  }
0x34: {  	[smem:$0x3FB3] =	sst s10  }
0x35: {  	s10 =	sld [smem:$0x3FB2];
	_ =	sdelay $0x3  }
0x36: {  	p1 =	seq.s32 s10, $0x1;
	s10 =	sld [smem:$0x3FB3];
	_ =	sdelay $0x3  }
0x37: {  	[smem:$0x3FB3] =	sst s10  }
0x38: {  	s10 =	sld [smem:$0x3FB4]  }
0x39: {  	_ = 	snop;
	(pc) =	sbr.ind lr, $3  }
0x3a: {  	_ = 	snop  }
0x3b: {  	_ = 	snop  }
0x3c: {  	p2 =	seq.s32 s10, $0x1;
	s10 =	sld [smem:$0x3FB3]  }
0x3d: {  	_ =	shalt  }
0x3e: {  	_ =	shalt  }
0x3f: {  	_ =	shalt  }
0x40: {  	_ =	shalt  }
0x41: {  	_ =	shalt  }
0x42: {  	_ =	shalt  }
0x43: {  	_ =	shalt  }
0x44: {  	_ =	shalt  }
0x45: {  	_ =	shalt  }
0x46: {  	_ =	shalt  }
0x47: {  	_ =	shalt  }
0x48: {  	_ =	shalt  }
0x49: {  	_ =	shalt  }
0x4a: {  	_ =	shalt  }
0x4b: {  	_ =	shalt  }
0x4c: {  	_ =	shalt  }
0x4d: {  	_ =	shalt  }
0x4e: {  	_ =	shalt  }
0x4f: {  	_ =	shalt  }
0x50: {  	_ =	shalt  }
0x51: {  	_ =	shalt  }
0x52: {  	_ =	shalt  }
0x53: {  	_ =	shalt  }
0x54: {  	_ =	shalt  }
0x55: {  	_ =	shalt  }
0x56: {  	_ =	shalt  }
0x57: {  	_ =	shalt  }
0x58: {  	_ =	shalt  }
0x59: {  	_ =	shalt  }
0x5a: {  	_ =	shalt  }
0x5b: {  	_ =	shalt  }
0x5c: {  	_ =	shalt  }
0x5d: {  	_ =	shalt  }
0x5e: {  	_ =	shalt  }
0x5f: {  	_ =	shalt  }
0x60: {  	_ =	shalt  }
0x61: {  	_ =	shalt  }
0x62: {  	_ =	shalt  }
0x63: {  	_ =	shalt  }
0x64: {  	_ =	shalt  }
0x65: {  	_ =	shalt  }
0x66: {  	_ =	shalt  }
0x67: {  	_ =	shalt  }
0x68: {  	_ =	shalt  }
0x69: {  	_ =	shalt  }
0x6a: {  	_ =	shalt  }
0x6b: {  	_ =	shalt  }
0x6c: {  	_ =	shalt  }
0x6d: {  	_ =	shalt  }
0x6e: {  	_ =	shalt  }
0x6f: {  	_ =	shalt  }
0x70: {  	_ =	shalt  }
0x71: {  	_ =	shalt  }
0x72: {  	_ =	shalt  }
0x73: {  	_ =	shalt  }
0x74: {  	_ =	shalt  }
0x75: {  	_ =	shalt  }
0x76: {  	_ =	shalt  }
0x77: {  	_ =	shalt  }
0x78: {  	_ =	shalt  }
0x79: {  	_ =	shalt  }
0x7a: {  	_ =	shalt  }
0x7b: {  	_ =	shalt  }
0x7c: {  	_ =	shalt  }
0x7d: {  	_ =	shalt  }
0x7e: {  	_ =	shalt  }
0x7f: {  	_ =	shalt  }
0x80: {  	_ =	shalt  }
0x81: {  	_ =	shalt  }
0x82: {  	_ =	shalt  }
0x83: {  	_ =	shalt  }
0x84: {  	_ =	shalt  }
0x85: {  	_ =	shalt  }
0x86: {  	_ =	shalt  }
0x87: {  	_ =	shalt  }
.Lfunc_end0:
.L_simem_size_0:
called_computation_lowered:
.L_overlay_start_0:
0x88: {  	s2 =	sld [smem:$0x3FD9]  }
0x89: {  	s3 =	sld [smem:$0x3FFE];
	_ =	sdelay $0x1  }
0x8a: {  	s1 =	srdreg.scid  }
0x8b: {  	s0 =	sand.u32 $0x1, s1  }
0x8c: {  	s17 =	sshll.u32 s0, $0xA;
	s2 =	sadd.s32 s3, s2  }
0x8d: {  	s2 =	sadd.s32 s2, s17  }
0x8e: {  	[smem:$0x3FBF] =	sst s2  }
0x8f: {  	_ = 	snop  }
0x90: {  	s2 =	sld [smem:$0x3FC9];
	(tm) =	ssettm $0x1  }
0x91: {  	s18 =	sld [smem:$0x3FFB];
	_ =	sdelay $0x3  }
0x92: {  	_ =	strace s18  }
0x93: {  	s3 =	sld [smem:$0x3FFC];
	_ =	sdelay $0x3  }
0x94: {  	_ =	strace s3  }
0x95: {  	s3 =	sld [smem:$0x3FFD];
	_ =	sdelay $0x3  }
0x96: {  	_ =	strace s3  }
0x97: {  	_ =	strace $0x8FFFFFFF  }
0x98: {  	s19 =	sld [smem:$0x3FDB];
	_ =	sdelay $0x1  }
0x99: {  	s4 =	simm.s32 $_scs_section_size  }
0x9a: {  	s5 =	simm.s32 $_size__tile_overlayer_lowered;
	s6 =	simm.s32 $_tile_overlayer_lowered  }
0x9b: {  	s22 =	simm.s32 $0x1BFF;
	s21 =	sshll.u32 s6, $0x1;
	s3 =	sadd.s32 s4, s19  }
0x9c: {  	s7 =	simm.s32 $0x0;
	s20 =	sshll.u32 s5, $0x1;
	s5 =	sadd.s32 s21, s3  }
0x9d: {  	[timem:s7], [sflag:s22] =	dma.local [hbm:s5], s20  }
0x9e: {  	_ =	swait.ge [sflag:s22], s20  }
0x9f: {  	s4 =	ssub.s32 $0x0, s20;
	[sflag:s22] =	ssyncset.done $0x0  }
0xa0: {  	[sflag:s22] =	ssyncadd.s32 s4;
	_ =	sdelay $0x1  }
0xa1: {  	s23 =	simm.s32 $0x1B8B  }
0xa2: {  	_ =	swait.ge [sflag:s23], $0x1  }
0xa3: {  	[sflag:s23] =	ssyncset.done $0x0  }
0xa4: {  	s25 =	simm.s32 $0x1B8E;
	s24 =	sld [smem:$0x3FFE];
	[sflag:s23] =	ssyncadd.s32 $0xFFFFFFFF  }
0xa5: {  	s26 =	simm.s32 $execute0_lowered;
	[smem:$0x3FD2] =	sst s25  }
0xa6: {  	s5 =	sshll.u32 s26, $0x1;
	_ =	strace $0x80000046;
	[dreg:$0x1] =	wrdreg $0xFFFFFFFF  }
0xa7: {  	s28 =	simm.s32 $_size_execute0_lowered;
	s3 =	sadd.s32 s3, s5;
	[dreg:$0x0] =	wrdreg $0x0  }
0xa8: {  	s5 =	sshll.u32 s28, $0x1;
	[dreg:$0x2] =	wrdreg s3  }
0xa9: {  	[dreg:$0x3] =	wrdreg s5  }
0xaa: {  	[dreg:$0x4] =	wrdreg $0xC0  }
0xab: {  	_ =	task [dreg:s7], $0x5FFFF  }
0xac: {  	[dreg:$0x1] =	wrdreg $0xFFFFFFFF  }
0xad: {  	[dreg:$0x0] =	wrdreg $0x60  }
0xae: {  	[dreg:$0x2] =	wrdreg s2  }
0xaf: {  	[dreg:$0x3] =	wrdreg s24  }
0xb0: {  	[dreg:$0x4] =	wrdreg $0x9  }
0xb1: {  	_ =	task.clear_ibuf [dreg:s7], $0x5FFFF;
	_ =	strace $0x90000046  }
0xb2: {  	s29 =	simm.s32 $0x9;
	_ =	strace $0x80000048  }
0xb3: {  	_ =	swait.ge [sflag:s29], $0x1  }
0xb4: {  	[sflag:s29] =	ssyncadd.s32 $0xFFFFFFFF  }
0xb5: {  	_ =	strace $0x90000048  }
0xb6: {  	_ =	sfence  }
0xb7: {  	s30 =	sld [smem:$0x0];
	_ =	sdelay $0x2  }
0xb8: {  	s31 =	sshll.u32 s1, $0xD;
	s1 =	sshrl.u32 s1, $0x2  }
0xb9: {  	s3 =	sand.u32 $0x4000, s31;
	s1 =	sadd.s32 s1, s30  }
0xba: {  	s0 =	sor.u32 s3, s0;
	s1 =	sshll.u32 s1, $0x11  }
0xbb: {  	s0 =	sor.u32 s1, s0  }
0xbc: {  	s0 =	sadd.s32 $0x8F2B, s0  }
0xbd: {  	[sflag:s0] =	ssyncadd.remote.s32 $0x1  }
0xbe: {  	_ =	sfence.sel $0xFFFF  }
0xbf: {  	[dreg:$0x0] =	wrdreg $0xFFFFFFFF;
	(pc) =	sbr.abs _section_cstart, $3  }
0xc0: {  	[dreg:$0x1] =	wrdreg $0xFFFFFFFF  }
0xc1: {  	_ =	task.clear_ibuf [dreg:s7], $0x2FFFF;
	_ =	strace $0x9FFFFFFF  }
0xc2: {  	(tm) =	ssettm $0x7FFFFFFF  }
0xc3: {  	_ =	shalt  }
tec
execute0_lowered:
.L_overlay_start_1:
0x0: {  	(tag) =	ssettag $0x1  }
0x1: {  	s0 =	rddreg [dreg:$0x0]  }
0x2: {  	s1 =	rddreg [dreg:$0x1];
	s2 =	simm.s32 $0x0  }
0x3: {  	s3 =	srdreg.scid;
	s5 =	stileid.u32;
	s18 =	simm.s32 $0x1  }
0x4: {  	[smem:$0x7FF] =	sst s2;
	s4 =	sand.u32 $0x1, s3;
	s5 =	sshll.u32 s5, $0x9  }
0x5: {  	s7 =	sadd.s32 $0x2200, s1;
	s3 =	sadd.s32 $0x2600, s1;
	s6 =	sshll.u32 s4, $0x8  }
0x6: {  	_ =	strace $0x80000047;
	s4 =	ssub.s32 $0x2, s4;
	s6 =	sor.u32 s6, s5  }
0x7: {  	s9 =	sshrl.u32 s4, $0x1;
	s5 =	sshrl.u32 s6, $0x3;
	s8 =	sshll.u32 s6, $0x7  }
0x8: {  	s9 =	ssub.s32 s4, s9;
	s4 =	sadd.s32 $0x2700, s1;
	s24 =	sor.u32 $0x40, s6  }
0x9: {  	s11 =	sor.u32 $0x80, s6;
	s6 =	sor.u32 $0xC0, s6;
	s5 =	sadd.s32 s7, s5  }
0xa: {  	s8 =	sand.u32 $0x78000, s8;
	s10 =	sshrl.u32 s24, $0x3;
	s25 =	sshrl.u32 s11, $0x3  }
0xb: {  	s28 =	sshll.u32 s11, $0x7;
	s30 =	sshrl.u32 s6, $0x3;
	s6 =	sshll.u32 s6, $0x7  }
0xc: {  	[dreg:$0x3] =	wrdreg s5;
	s23 =	sadd.s32 s0, s8;
	s5 =	sadd.s32 $0x2800, s1  }
0xd: {  	s8 =	sshll.u32 s24, $0x7;
	s10 =	sadd.s32 s7, s10;
	[dreg:$0x4] =	wrdreg s23  }
0xe: {  	s26 =	sadd.s32 s7, s25;
	s29 =	sand.u32 $0x7C000, s28;
	[dreg:$0x5] =	wrdreg s10  }
0xf: {  	s7 =	sadd.s32 s7, s30;
	s8 =	sand.u32 $0x7A000, s8;
	[dreg:$0x7] =	wrdreg s26  }
0x10: {  	s31 =	sand.u32 $0x7E000, s6;
	[dreg:$0x9] =	wrdreg s7;
	s8 =	sadd.s32 s0, s8  }
0x11: {  	v2 =	vlaneseq.u32;
	s6 =	sadd.s32 $0x2900, s1;
	[dreg:$0x6] =	wrdreg s8;
	s8 =	sadd.s32 s0, s29  }
0x12: {  	vm0 =	vmmov $0xffff;
	v1 =	vshrl.u32 v2, $0x3;
	s7 =	smax.u32 s9, $0x1;
	s0 =	sadd.s32 s0, s31;
	[dreg:$0x8] =	wrdreg s8  }
0x13: {  	v0 =	vand.u32 $0x7, v2;
	v2 =	vor.u32 $0x8, v2;
	v1 =	vmul.u32 $0x8, v1;
	s23 =	simm.s32 $0x80;
	[dreg:$0xa] =	wrdreg s0;
	s8 =	simm.s32 $0x2  }
.LBB2_1:
0x14: {  	s19 =	rddreg [dreg:$0x3]  }
0x15: {  	[tilespmem:s2], [sflag:$0x2] =	stream.linear.gather [hbm4b:s19+s2], $0x40, $0x38;
	[tilespmem:$0x10080] =	vst v63  }
0x16: {  	_ =	swait.ge [sflag:s8], $0x40  }
0x17: {  	[sflag:s8] =	ssyncset.done $0x0  }
0x18: {  	s11 =	rddreg [dreg:$0x4];
	[sflag:s8] =	ssyncadd.s32 $0xFFFFFFC0  }
0x19: {  	[tilespmem:s23], [sflag:$0x2] =	stream.linear.gather [hbm4b:s11+s2], $0x10000, $0x38;
	[tilespmem:$0x10080] =	vst v63  }
0x1a: {  	_ =	swait.ge [sflag:s8], $0x10000  }
0x1b: {  	[sflag:s8] =	ssyncset.done $0x0  }
0x1c: {  	[sflag:s8] =	ssyncadd.s32 $0xFFFF0000  }
0x1d: {  	v3 =	vld [tilespmem:$0x0];
	_ =	sdelay $0x4  }
0x1e: {  	v4 =	vshll.u32 v3, $0x3  }
0x1f: {  	v3 =	vand.u32 $0x7, v3;
	v4 =	vand.u32 $0xFFFFFFC0, v4  }
0x20: {  	v3 =	vor.u32 v3, v4  }
0x21: {  	v4 =	vperm.xlane v3, v0;
	_ =	sdelay $0x1  }
0x22: {  	v4 =	vadd.s32 v1, v4;
	_ =	sdelay $0x4  }
0x23: {  	[hbm4b:s3+s2] =	stream.indirect_vreg.scatter [tilespmem:s23], [sflag:$0x1], $0x80, v4, vm0, $0xb8;
	[tilespmem:$0x10080] =	vst v63  }
0x24: {  	s0 =	simm.s32 $0x880;
	v3 =	vperm.xlane v3, v2  }
0x25: {  	[hbm4b:s4+s2] =	stream.indirect_vreg.scatter [tilespmem:s0], [sflag:$0x1], $0x80, v4, vm0, $0xb8;
	[tilespmem:$0x10080] =	vst v63  }
0x26: {  	s12 =	simm.s32 $0x1080;
	v3 =	vadd.s32 v1, v3  }
0x27: {  	[hbm4b:s5+s2] =	stream.indirect_vreg.scatter [tilespmem:s12], [sflag:$0x1], $0x80, v4, vm0, $0xb8;
	[tilespmem:$0x10080] =	vst v63  }
0x28: {  	s13 =	simm.s32 $0x1880  }
0x29: {  	[hbm4b:s6+s2] =	stream.indirect_vreg.scatter [tilespmem:s13], [sflag:$0x1], $0x80, v4, vm0, $0xb8;
	[tilespmem:$0x10080] =	vst v63  }
0x2a: {  	s15 =	simm.s32 $0x2080  }
0x2b: {  	[hbm4b:s3+s2] =	stream.indirect_vreg.scatter [tilespmem:s15], [sflag:$0x1], $0x80, v3, vm0, $0xb8;
	[tilespmem:$0x10080] =	vst v63  }
0x2c: {  	s16 =	simm.s32 $0x2880  }
0x2d: {  	[hbm4b:s4+s2] =	stream.indirect_vreg.scatter [tilespmem:s16], [sflag:$0x1], $0x80, v3, vm0, $0xb8;
	[tilespmem:$0x10080] =	vst v63  }
0x2e: {  	s17 =	simm.s32 $0x3080  }
0x2f: {  	[hbm4b:s5+s2] =	stream.indirect_vreg.scatter [tilespmem:s17], [sflag:$0x1], $0x80, v3, vm0, $0xb8;
	[tilespmem:$0x10080] =	vst v63  }
0x30: {  	s19 =	simm.s32 $0x3880  }
0x31: {  	[hbm4b:s6+s2] =	stream.indirect_vreg.scatter [tilespmem:s19], [sflag:$0x1], $0x80, v3, vm0, $0xb8;
	[tilespmem:$0x10080] =	vst v63  }
0x32: {  	v3 =	vld [tilespmem:$0x10];
	_ =	sdelay $0x4  }
0x33: {  	v49 =	vshll.u32 v3, $0x3  }
0x34: {  	v3 =	vand.u32 $0x7, v3;
	v4 =	vand.u32 $0xFFFFFFC0, v49  }
0x35: {  	v3 =	vor.u32 v3, v4  }
0x36: {  	v4 =	vperm.xlane v3, v0;
	_ =	sdelay $0x1  }
0x37: {  	v4 =	vadd.s32 v1, v4;
	_ =	sdelay $0x3  }
0x38: {  	s20 =	simm.s32 $0x4080  }
0x39: {  	[hbm4b:s3+s2] =	stream.indirect_vreg.scatter [tilespmem:s20], [sflag:$0x1], $0x80, v4, vm0, $0xb8;
	[tilespmem:$0x10080] =	vst v63  }
0x3a: {  	s21 =	simm.s32 $0x4880;
	v3 =	vperm.xlane v3, v2  }
0x3b: {  	[hbm4b:s4+s2] =	stream.indirect_vreg.scatter [tilespmem:s21], [sflag:$0x1], $0x80, v4, vm0, $0xb8;
	[tilespmem:$0x10080] =	vst v63  }
0x3c: {  	s22 =	simm.s32 $0x5080;
	v3 =	vadd.s32 v1, v3  }
0x3d: {  	[hbm4b:s5+s2] =	stream.indirect_vreg.scatter [tilespmem:s22], [sflag:$0x1], $0x80, v4, vm0, $0xb8;
	[tilespmem:$0x10080] =	vst v63  }
0x3e: {  	s24 =	simm.s32 $0x5880  }
0x3f: {  	[hbm4b:s6+s2] =	stream.indirect_vreg.scatter [tilespmem:s24], [sflag:$0x1], $0x80, v4, vm0, $0xb8;
	[tilespmem:$0x10080] =	vst v63  }
0x40: {  	s25 =	simm.s32 $0x6080  }
0x41: {  	[hbm4b:s3+s2] =	stream.indirect_vreg.scatter [tilespmem:s25], [sflag:$0x1], $0x80, v3, vm0, $0xb8;
	[tilespmem:$0x10080] =	vst v63  }
0x42: {  	s26 =	simm.s32 $0x6880  }
0x43: {  	[hbm4b:s4+s2] =	stream.indirect_vreg.scatter [tilespmem:s26], [sflag:$0x1], $0x80, v3, vm0, $0xb8;
	[tilespmem:$0x10080] =	vst v63  }
0x44: {  	s28 =	simm.s32 $0x7080  }
0x45: {  	[hbm4b:s5+s2] =	stream.indirect_vreg.scatter [tilespmem:s28], [sflag:$0x1], $0x80, v3, vm0, $0xb8;
	[tilespmem:$0x10080] =	vst v63  }
0x46: {  	s29 =	simm.s32 $0x7880  }
0x47: {  	[hbm4b:s6+s2] =	stream.indirect_vreg.scatter [tilespmem:s29], [sflag:$0x1], $0x80, v3, vm0, $0xb8;
	[tilespmem:$0x10080] =	vst v63  }
0x48: {  	v3 =	vld [tilespmem:$0x20];
	_ =	sdelay $0x4  }
0x49: {  	v50 =	vshll.u32 v3, $0x3  }
0x4a: {  	v3 =	vand.u32 $0x7, v3;
	v4 =	vand.u32 $0xFFFFFFC0, v50  }
0x4b: {  	v3 =	vor.u32 v3, v4  }
0x4c: {  	v4 =	vperm.xlane v3, v0;
	_ =	sdelay $0x1  }
0x4d: {  	v4 =	vadd.s32 v1, v4;
	_ =	sdelay $0x3  }
0x4e: {  	s30 =	simm.s32 $0x8080  }
0x4f: {  	[hbm4b:s3+s2] =	stream.indirect_vreg.scatter [tilespmem:s30], [sflag:$0x1], $0x80, v4, vm0, $0xb8;
	[tilespmem:$0x10080] =	vst v63  }
0x50: {  	s16 =	simm.s32 $0x8880;
	v3 =	vperm.xlane v3, v2  }
0x51: {  	[hbm4b:s4+s2] =	stream.indirect_vreg.scatter [tilespmem:s16], [sflag:$0x1], $0x80, v4, vm0, $0xb8;
	[tilespmem:$0x10080] =	vst v63  }
0x52: {  	s17 =	simm.s32 $0x9080;
	v3 =	vadd.s32 v1, v3  }
0x53: {  	[hbm4b:s5+s2] =	stream.indirect_vreg.scatter [tilespmem:s17], [sflag:$0x1], $0x80, v4, vm0, $0xb8;
	[tilespmem:$0x10080] =	vst v63  }
0x54: {  	s19 =	simm.s32 $0x9880  }
0x55: {  	[hbm4b:s6+s2] =	stream.indirect_vreg.scatter [tilespmem:s19], [sflag:$0x1], $0x80, v4, vm0, $0xb8;
	[tilespmem:$0x10080] =	vst v63  }
0x56: {  	s20 =	simm.s32 $0xA080  }
0x57: {  	[hbm4b:s3+s2] =	stream.indirect_vreg.scatter [tilespmem:s20], [sflag:$0x1], $0x80, v3, vm0, $0xb8;
	[tilespmem:$0x10080] =	vst v63  }
0x58: {  	s21 =	simm.s32 $0xA880  }
0x59: {  	[hbm4b:s4+s2] =	stream.indirect_vreg.scatter [tilespmem:s21], [sflag:$0x1], $0x80, v3, vm0, $0xb8;
	[tilespmem:$0x10080] =	vst v63  }
0x5a: {  	s22 =	simm.s32 $0xB080  }
0x5b: {  	[hbm4b:s5+s2] =	stream.indirect_vreg.scatter [tilespmem:s22], [sflag:$0x1], $0x80, v3, vm0, $0xb8;
	[tilespmem:$0x10080] =	vst v63  }
0x5c: {  	s24 =	simm.s32 $0xB880  }
0x5d: {  	[hbm4b:s6+s2] =	stream.indirect_vreg.scatter [tilespmem:s24], [sflag:$0x1], $0x80, v3, vm0, $0xb8;
	[tilespmem:$0x10080] =	vst v63  }
0x5e: {  	v3 =	vld [tilespmem:$0x30];
	_ =	sdelay $0x4  }
0x5f: {  	v51 =	vshll.u32 v3, $0x3  }
0x60: {  	v3 =	vand.u32 $0x7, v3;
	v4 =	vand.u32 $0xFFFFFFC0, v51  }
0x61: {  	v3 =	vor.u32 v3, v4  }
0x62: {  	v4 =	vperm.xlane v3, v0;
	_ =	sdelay $0x1  }
0x63: {  	v4 =	vadd.s32 v1, v4;
	_ =	sdelay $0x3  }
0x64: {  	s25 =	simm.s32 $0xC080  }
0x65: {  	[hbm4b:s3+s2] =	stream.indirect_vreg.scatter [tilespmem:s25], [sflag:$0x1], $0x80, v4, vm0, $0xb8;
	[tilespmem:$0x10080] =	vst v63  }
0x66: {  	s26 =	simm.s32 $0xC880;
	v3 =	vperm.xlane v3, v2  }
0x67: {  	[hbm4b:s4+s2] =	stream.indirect_vreg.scatter [tilespmem:s26], [sflag:$0x1], $0x80, v4, vm0, $0xb8;
	[tilespmem:$0x10080] =	vst v63  }
0x68: {  	s29 =	simm.s32 $0xD080;
	v3 =	vadd.s32 v1, v3  }
0x69: {  	[hbm4b:s5+s2] =	stream.indirect_vreg.scatter [tilespmem:s29], [sflag:$0x1], $0x80, v4, vm0, $0xb8;
	[tilespmem:$0x10080] =	vst v63  }
0x6a: {  	s0 =	simm.s32 $0xD880  }
0x6b: {  	[hbm4b:s6+s2] =	stream.indirect_vreg.scatter [tilespmem:s0], [sflag:$0x1], $0x80, v4, vm0, $0xb8;
	[tilespmem:$0x10080] =	vst v63  }
0x6c: {  	s16 =	simm.s32 $0xE080  }
0x6d: {  	[hbm4b:s3+s2] =	stream.indirect_vreg.scatter [tilespmem:s16], [sflag:$0x1], $0x80, v3, vm0, $0xb8;
	[tilespmem:$0x10080] =	vst v63  }
0x6e: {  	s17 =	simm.s32 $0xE880  }
0x6f: {  	[hbm4b:s4+s2] =	stream.indirect_vreg.scatter [tilespmem:s17], [sflag:$0x1], $0x80, v3, vm0, $0xb8;
	[tilespmem:$0x10080] =	vst v63  }
0x70: {  	s24 =	simm.s32 $0xF080  }
0x71: {  	[hbm4b:s5+s2] =	stream.indirect_vreg.scatter [tilespmem:s24], [sflag:$0x1], $0x80, v3, vm0, $0xb8;
	[tilespmem:$0x10080] =	vst v63  }
0x72: {  	s25 =	simm.s32 $0xF880  }
0x73: {  	[hbm4b:s6+s2] =	stream.indirect_vreg.scatter [tilespmem:s25], [sflag:$0x1], $0x80, v3, vm0, $0xb8;
	[tilespmem:$0x10080] =	vst v63  }
0x74: {  	_ =	swait.ge [sflag:s18], $0x10000  }
0x75: {  	[sflag:s18] =	ssyncset.done $0x0  }
0x76: {  	s0 =	rddreg [dreg:$0x5];
	[sflag:s18] =	ssyncadd.s32 $0xFFFF0000  }
0x77: {  	[tilespmem:s2], [sflag:$0x2] =	stream.linear.gather [hbm4b:s0+s2], $0x40, $0x38;
	[tilespmem:$0x10080] =	vst v63  }
0x78: {  	_ =	swait.ge [sflag:s8], $0x40  }
0x79: {  	[sflag:s8] =	ssyncset.done $0x0  }
0x7a: {  	s16 =	rddreg [dreg:$0x6];
	[sflag:s8] =	ssyncadd.s32 $0xFFFFFFC0  }
0x7b: {  	[tilespmem:s23], [sflag:$0x2] =	stream.linear.gather [hbm4b:s16+s2], $0x10000, $0x38;
	[tilespmem:$0x10080] =	vst v63  }
0x7c: {  	_ =	swait.ge [sflag:s8], $0x10000  }
0x7d: {  	[sflag:s8] =	ssyncset.done $0x0  }
0x7e: {  	[sflag:s8] =	ssyncadd.s32 $0xFFFF0000  }
0x7f: {  	v3 =	vld [tilespmem:$0x0];
	_ =	sdelay $0x4  }
0x80: {  	v52 =	vshll.u32 v3, $0x3  }
0x81: {  	v3 =	vand.u32 $0x7, v3;
	v4 =	vand.u32 $0xFFFFFFC0, v52  }
0x82: {  	v3 =	vor.u32 v3, v4  }
0x83: {  	v4 =	vperm.xlane v3, v0;
	_ =	sdelay $0x1  }
0x84: {  	v4 =	vadd.s32 v1, v4;
	_ =	sdelay $0x4  }
0x85: {  	[hbm4b:s3+s2] =	stream.indirect_vreg.scatter [tilespmem:s23], [sflag:$0x1], $0x80, v4, vm0, $0xb8;
	[tilespmem:$0x10080] =	vst v63  }
0x86: {  	s14 =	simm.s32 $0x880;
	v3 =	vperm.xlane v3, v2  }
0x87: {  	[hbm4b:s4+s2] =	stream.indirect_vreg.scatter [tilespmem:s14], [sflag:$0x1], $0x80, v4, vm0, $0xb8;
	[tilespmem:$0x10080] =	vst v63  }
0x88: {  	s1 =	simm.s32 $0x1080;
	v3 =	vadd.s32 v1, v3  }
0x89: {  	[hbm4b:s5+s2] =	stream.indirect_vreg.scatter [tilespmem:s1], [sflag:$0x1], $0x80, v4, vm0, $0xb8;
	[tilespmem:$0x10080] =	vst v63  }
0x8a: {  	s9 =	simm.s32 $0x1880  }
0x8b: {  	[hbm4b:s6+s2] =	stream.indirect_vreg.scatter [tilespmem:s9], [sflag:$0x1], $0x80, v4, vm0, $0xb8;
	[tilespmem:$0x10080] =	vst v63  }
0x8c: {  	s10 =	simm.s32 $0x2080  }
0x8d: {  	[hbm4b:s3+s2] =	stream.indirect_vreg.scatter [tilespmem:s10], [sflag:$0x1], $0x80, v3, vm0, $0xb8;
	[tilespmem:$0x10080] =	vst v63  }
0x8e: {  	s11 =	simm.s32 $0x2880  }
0x8f: {  	[hbm4b:s4+s2] =	stream.indirect_vreg.scatter [tilespmem:s11], [sflag:$0x1], $0x80, v3, vm0, $0xb8;
	[tilespmem:$0x10080] =	vst v63  }
0x90: {  	s12 =	simm.s32 $0x3080  }
0x91: {  	[hbm4b:s5+s2] =	stream.indirect_vreg.scatter [tilespmem:s12], [sflag:$0x1], $0x80, v3, vm0, $0xb8;
	[tilespmem:$0x10080] =	vst v63  }
0x92: {  	s15 =	simm.s32 $0x3880  }
0x93: {  	[hbm4b:s6+s2] =	stream.indirect_vreg.scatter [tilespmem:s15], [sflag:$0x1], $0x80, v3, vm0, $0xb8;
	[tilespmem:$0x10080] =	vst v63  }
0x94: {  	v3 =	vld [tilespmem:$0x10];
	_ =	sdelay $0x4  }
0x95: {  	v53 =	vshll.u32 v3, $0x3  }
0x96: {  	v3 =	vand.u32 $0x7, v3;
	v4 =	vand.u32 $0xFFFFFFC0, v53  }
0x97: {  	v3 =	vor.u32 v3, v4  }
0x98: {  	v4 =	vperm.xlane v3, v0;
	_ =	sdelay $0x1  }
0x99: {  	v4 =	vadd.s32 v1, v4;
	_ =	sdelay $0x3  }
0x9a: {  	s16 =	simm.s32 $0x4080  }
0x9b: {  	[hbm4b:s3+s2] =	stream.indirect_vreg.scatter [tilespmem:s16], [sflag:$0x1], $0x80, v4, vm0, $0xb8;
	[tilespmem:$0x10080] =	vst v63  }
0x9c: {  	s31 =	simm.s32 $0x4880;
	v3 =	vperm.xlane v3, v2  }
0x9d: {  	[hbm4b:s4+s2] =	stream.indirect_vreg.scatter [tilespmem:s31], [sflag:$0x1], $0x80, v4, vm0, $0xb8;
	[tilespmem:$0x10080] =	vst v63  }
0x9e: {  	s13 =	simm.s32 $0x5080;
	v3 =	vadd.s32 v1, v3  }
0x9f: {  	[hbm4b:s5+s2] =	stream.indirect_vreg.scatter [tilespmem:s13], [sflag:$0x1], $0x80, v4, vm0, $0xb8;
	[tilespmem:$0x10080] =	vst v63  }
0xa0: {  	s31 =	simm.s32 $0x5880  }
0xa1: {  	[hbm4b:s6+s2] =	stream.indirect_vreg.scatter [tilespmem:s31], [sflag:$0x1], $0x80, v4, vm0, $0xb8;
	[tilespmem:$0x10080] =	vst v63  }
0xa2: {  	s0 =	simm.s32 $0x6080  }
0xa3: {  	[hbm4b:s3+s2] =	stream.indirect_vreg.scatter [tilespmem:s0], [sflag:$0x1], $0x80, v3, vm0, $0xb8;
	[tilespmem:$0x10080] =	vst v63  }
0xa4: {  	s1 =	simm.s32 $0x6880  }
0xa5: {  	[hbm4b:s4+s2] =	stream.indirect_vreg.scatter [tilespmem:s1], [sflag:$0x1], $0x80, v3, vm0, $0xb8;
	[tilespmem:$0x10080] =	vst v63  }
0xa6: {  	s9 =	simm.s32 $0x7080  }
0xa7: {  	[hbm4b:s5+s2] =	stream.indirect_vreg.scatter [tilespmem:s9], [sflag:$0x1], $0x80, v3, vm0, $0xb8;
	[tilespmem:$0x10080] =	vst v63  }
0xa8: {  	s13 =	simm.s32 $0x7880  }
0xa9: {  	[hbm4b:s6+s2] =	stream.indirect_vreg.scatter [tilespmem:s13], [sflag:$0x1], $0x80, v3, vm0, $0xb8;
	[tilespmem:$0x10080] =	vst v63  }
0xaa: {  	v3 =	vld [tilespmem:$0x20];
	_ =	sdelay $0x4  }
0xab: {  	v54 =	vshll.u32 v3, $0x3  }
0xac: {  	v3 =	vand.u32 $0x7, v3;
	v4 =	vand.u32 $0xFFFFFFC0, v54  }
0xad: {  	v3 =	vor.u32 v3, v4  }
0xae: {  	v4 =	vperm.xlane v3, v0;
	_ =	sdelay $0x1  }
0xaf: {  	v4 =	vadd.s32 v1, v4;
	_ =	sdelay $0x3  }
0xb0: {  	s14 =	simm.s32 $0x8080  }
0xb1: {  	[hbm4b:s3+s2] =	stream.indirect_vreg.scatter [tilespmem:s14], [sflag:$0x1], $0x80, v4, vm0, $0xb8;
	[tilespmem:$0x10080] =	vst v63  }
0xb2: {  	s15 =	simm.s32 $0x8880;
	v3 =	vperm.xlane v3, v2  }
0xb3: {  	[hbm4b:s4+s2] =	stream.indirect_vreg.scatter [tilespmem:s15], [sflag:$0x1], $0x80, v4, vm0, $0xb8;
	[tilespmem:$0x10080] =	vst v63  }
0xb4: {  	s10 =	simm.s32 $0x9080;
	v3 =	vadd.s32 v1, v3  }
0xb5: {  	[hbm4b:s5+s2] =	stream.indirect_vreg.scatter [tilespmem:s10], [sflag:$0x1], $0x80, v4, vm0, $0xb8;
	[tilespmem:$0x10080] =	vst v63  }
0xb6: {  	s11 =	simm.s32 $0x9880  }
0xb7: {  	[hbm4b:s6+s2] =	stream.indirect_vreg.scatter [tilespmem:s11], [sflag:$0x1], $0x80, v4, vm0, $0xb8;
	[tilespmem:$0x10080] =	vst v63  }
0xb8: {  	s12 =	simm.s32 $0xA080  }
0xb9: {  	[hbm4b:s3+s2] =	stream.indirect_vreg.scatter [tilespmem:s12], [sflag:$0x1], $0x80, v3, vm0, $0xb8;
	[tilespmem:$0x10080] =	vst v63  }
0xba: {  	s30 =	simm.s32 $0xA880  }
0xbb: {  	[hbm4b:s4+s2] =	stream.indirect_vreg.scatter [tilespmem:s30], [sflag:$0x1], $0x80, v3, vm0, $0xb8;
	[tilespmem:$0x10080] =	vst v63  }
0xbc: {  	s28 =	simm.s32 $0xB080  }
0xbd: {  	[hbm4b:s5+s2] =	stream.indirect_vreg.scatter [tilespmem:s28], [sflag:$0x1], $0x80, v3, vm0, $0xb8;
	[tilespmem:$0x10080] =	vst v63  }
0xbe: {  	s20 =	simm.s32 $0xB880  }
0xbf: {  	[hbm4b:s6+s2] =	stream.indirect_vreg.scatter [tilespmem:s20], [sflag:$0x1], $0x80, v3, vm0, $0xb8;
	[tilespmem:$0x10080] =	vst v63  }
0xc0: {  	v3 =	vld [tilespmem:$0x30];
	_ =	sdelay $0x4  }
0xc1: {  	v55 =	vshll.u32 v3, $0x3  }
0xc2: {  	v3 =	vand.u32 $0x7, v3;
	v4 =	vand.u32 $0xFFFFFFC0, v55  }
0xc3: {  	v3 =	vor.u32 v3, v4  }
0xc4: {  	v4 =	vperm.xlane v3, v0;
	_ =	sdelay $0x1  }
0xc5: {  	v4 =	vadd.s32 v1, v4;
	_ =	sdelay $0x3  }
0xc6: {  	s21 =	simm.s32 $0xC080  }
0xc7: {  	[hbm4b:s3+s2] =	stream.indirect_vreg.scatter [tilespmem:s21], [sflag:$0x1], $0x80, v4, vm0, $0xb8;
	[tilespmem:$0x10080] =	vst v63  }
0xc8: {  	s22 =	simm.s32 $0xC880;
	v3 =	vperm.xlane v3, v2  }
0xc9: {  	[hbm4b:s4+s2] =	stream.indirect_vreg.scatter [tilespmem:s22], [sflag:$0x1], $0x80, v4, vm0, $0xb8;
	[tilespmem:$0x10080] =	vst v63  }
0xca: {  	v3 =	vadd.s32 v1, v3;
	s22 =	simm.s32 $0xD080  }
0xcb: {  	[hbm4b:s5+s2] =	stream.indirect_vreg.scatter [tilespmem:s22], [sflag:$0x1], $0x80, v4, vm0, $0xb8;
	[tilespmem:$0x10080] =	vst v63  }
0xcc: {  	s26 =	simm.s32 $0xD880  }
0xcd: {  	[hbm4b:s6+s2] =	stream.indirect_vreg.scatter [tilespmem:s26], [sflag:$0x1], $0x80, v4, vm0, $0xb8;
	[tilespmem:$0x10080] =	vst v63  }
0xce: {  	s29 =	simm.s32 $0xE080  }
0xcf: {  	[hbm4b:s3+s2] =	stream.indirect_vreg.scatter [tilespmem:s29], [sflag:$0x1], $0x80, v3, vm0, $0xb8;
	[tilespmem:$0x10080] =	vst v63  }
0xd0: {  	s26 =	simm.s32 $0xE880  }
0xd1: {  	[hbm4b:s4+s2] =	stream.indirect_vreg.scatter [tilespmem:s26], [sflag:$0x1], $0x80, v3, vm0, $0xb8;
	[tilespmem:$0x10080] =	vst v63  }
0xd2: {  	s30 =	simm.s32 $0xF080  }
0xd3: {  	[hbm4b:s5+s2] =	stream.indirect_vreg.scatter [tilespmem:s30], [sflag:$0x1], $0x80, v3, vm0, $0xb8;
	[tilespmem:$0x10080] =	vst v63  }
0xd4: {  	s17 =	simm.s32 $0xF880  }
0xd5: {  	[hbm4b:s6+s2] =	stream.indirect_vreg.scatter [tilespmem:s17], [sflag:$0x1], $0x80, v3, vm0, $0xb8;
	[tilespmem:$0x10080] =	vst v63  }
0xd6: {  	_ =	swait.ge [sflag:s18], $0x10000  }
0xd7: {  	[sflag:s18] =	ssyncset.done $0x0  }
0xd8: {  	s21 =	rddreg [dreg:$0x7];
	[sflag:s18] =	ssyncadd.s32 $0xFFFF0000  }
0xd9: {  	[tilespmem:s2], [sflag:$0x2] =	stream.linear.gather [hbm4b:s21+s2], $0x40, $0x38;
	[tilespmem:$0x10080] =	vst v63  }
0xda: {  	_ =	swait.ge [sflag:s8], $0x40  }
0xdb: {  	[sflag:s8] =	ssyncset.done $0x0  }
0xdc: {  	s17 =	rddreg [dreg:$0x8];
	[sflag:s8] =	ssyncadd.s32 $0xFFFFFFC0  }
0xdd: {  	[tilespmem:s23], [sflag:$0x2] =	stream.linear.gather [hbm4b:s17+s2], $0x10000, $0x38;
	[tilespmem:$0x10080] =	vst v63  }
0xde: {  	_ =	swait.ge [sflag:s8], $0x10000  }
0xdf: {  	[sflag:s8] =	ssyncset.done $0x0  }
0xe0: {  	[sflag:s8] =	ssyncadd.s32 $0xFFFF0000  }
0xe1: {  	v3 =	vld [tilespmem:$0x0];
	_ =	sdelay $0x4  }
0xe2: {  	v56 =	vshll.u32 v3, $0x3  }
0xe3: {  	v3 =	vand.u32 $0x7, v3;
	v4 =	vand.u32 $0xFFFFFFC0, v56  }
0xe4: {  	v3 =	vor.u32 v3, v4  }
0xe5: {  	v4 =	vperm.xlane v3, v0;
	_ =	sdelay $0x1  }
0xe6: {  	v4 =	vadd.s32 v1, v4;
	_ =	sdelay $0x4  }
0xe7: {  	[hbm4b:s3+s2] =	stream.indirect_vreg.scatter [tilespmem:s23], [sflag:$0x1], $0x80, v4, vm0, $0xb8;
	[tilespmem:$0x10080] =	vst v63  }
0xe8: {  	s21 =	simm.s32 $0x880;
	v3 =	vperm.xlane v3, v2  }
0xe9: {  	[hbm4b:s4+s2] =	stream.indirect_vreg.scatter [tilespmem:s21], [sflag:$0x1], $0x80, v4, vm0, $0xb8;
	[tilespmem:$0x10080] =	vst v63  }
0xea: {  	s25 =	simm.s32 $0x1080;
	v3 =	vadd.s32 v1, v3  }
0xeb: {  	[hbm4b:s5+s2] =	stream.indirect_vreg.scatter [tilespmem:s25], [sflag:$0x1], $0x80, v4, vm0, $0xb8;
	[tilespmem:$0x10080] =	vst v63  }
0xec: {  	s19 =	simm.s32 $0x1880  }
0xed: {  	[hbm4b:s6+s2] =	stream.indirect_vreg.scatter [tilespmem:s19], [sflag:$0x1], $0x80, v4, vm0, $0xb8;
	[tilespmem:$0x10080] =	vst v63  }
0xee: {  	s25 =	simm.s32 $0x2080  }
0xef: {  	[hbm4b:s3+s2] =	stream.indirect_vreg.scatter [tilespmem:s25], [sflag:$0x1], $0x80, v3, vm0, $0xb8;
	[tilespmem:$0x10080] =	vst v63  }
0xf0: {  	s19 =	simm.s32 $0x2880  }
0xf1: {  	[hbm4b:s4+s2] =	stream.indirect_vreg.scatter [tilespmem:s19], [sflag:$0x1], $0x80, v3, vm0, $0xb8;
	[tilespmem:$0x10080] =	vst v63  }
0xf2: {  	s25 =	simm.s32 $0x3080  }
0xf3: {  	[hbm4b:s5+s2] =	stream.indirect_vreg.scatter [tilespmem:s25], [sflag:$0x1], $0x80, v3, vm0, $0xb8;
	[tilespmem:$0x10080] =	vst v63  }
0xf4: {  	s19 =	simm.s32 $0x3880  }
0xf5: {  	[hbm4b:s6+s2] =	stream.indirect_vreg.scatter [tilespmem:s19], [sflag:$0x1], $0x80, v3, vm0, $0xb8;
	[tilespmem:$0x10080] =	vst v63  }
0xf6: {  	v3 =	vld [tilespmem:$0x10];
	_ =	sdelay $0x4  }
0xf7: {  	v57 =	vshll.u32 v3, $0x3  }
0xf8: {  	v3 =	vand.u32 $0x7, v3;
	v4 =	vand.u32 $0xFFFFFFC0, v57  }
0xf9: {  	v3 =	vor.u32 v3, v4  }
0xfa: {  	v4 =	vperm.xlane v3, v0;
	_ =	sdelay $0x1  }
0xfb: {  	v4 =	vadd.s32 v1, v4;
	_ =	sdelay $0x4  }
0xfc: {  	[hbm4b:s3+s2] =	stream.indirect_vreg.scatter [tilespmem:s16], [sflag:$0x1], $0x80, v4, vm0, $0xb8;
	[tilespmem:$0x10080] =	vst v63  }
0xfd: {  	s25 =	simm.s32 $0x4880;
	v3 =	vperm.xlane v3, v2  }
0xfe: {  	[hbm4b:s4+s2] =	stream.indirect_vreg.scatter [tilespmem:s25], [sflag:$0x1], $0x80, v4, vm0, $0xb8;
	[tilespmem:$0x10080] =	vst v63  }
0xff: {  	s19 =	simm.s32 $0x5080;
	v3 =	vadd.s32 v1, v3  }
0x100: {  	[hbm4b:s5+s2] =	stream.indirect_vreg.scatter [tilespmem:s19], [sflag:$0x1], $0x80, v4, vm0, $0xb8;
	[tilespmem:$0x10080] =	vst v63  }
0x101: {  	_ = 	snop  }
0x102: {  	[hbm4b:s6+s2] =	stream.indirect_vreg.scatter [tilespmem:s31], [sflag:$0x1], $0x80, v4, vm0, $0xb8;
	[tilespmem:$0x10080] =	vst v63  }
0x103: {  	_ = 	snop  }
0x104: {  	[hbm4b:s3+s2] =	stream.indirect_vreg.scatter [tilespmem:s0], [sflag:$0x1], $0x80, v3, vm0, $0xb8;
	[tilespmem:$0x10080] =	vst v63  }
0x105: {  	_ = 	snop  }
0x106: {  	[hbm4b:s4+s2] =	stream.indirect_vreg.scatter [tilespmem:s1], [sflag:$0x1], $0x80, v3, vm0, $0xb8;
	[tilespmem:$0x10080] =	vst v63  }
0x107: {  	_ = 	snop  }
0x108: {  	[hbm4b:s5+s2] =	stream.indirect_vreg.scatter [tilespmem:s9], [sflag:$0x1], $0x80, v3, vm0, $0xb8;
	[tilespmem:$0x10080] =	vst v63  }
0x109: {  	_ = 	snop  }
0x10a: {  	[hbm4b:s6+s2] =	stream.indirect_vreg.scatter [tilespmem:s13], [sflag:$0x1], $0x80, v3, vm0, $0xb8;
	[tilespmem:$0x10080] =	vst v63  }
0x10b: {  	v3 =	vld [tilespmem:$0x20];
	_ =	sdelay $0x4  }
0x10c: {  	v58 =	vshll.u32 v3, $0x3  }
0x10d: {  	v3 =	vand.u32 $0x7, v3;
	v4 =	vand.u32 $0xFFFFFFC0, v58  }
0x10e: {  	v3 =	vor.u32 v3, v4  }
0x10f: {  	v4 =	vperm.xlane v3, v0;
	_ =	sdelay $0x1  }
0x110: {  	v4 =	vadd.s32 v1, v4;
	_ =	sdelay $0x4  }
0x111: {  	[hbm4b:s3+s2] =	stream.indirect_vreg.scatter [tilespmem:s14], [sflag:$0x1], $0x80, v4, vm0, $0xb8;
	[tilespmem:$0x10080] =	vst v63  }
0x112: {  	v3 =	vperm.xlane v3, v2  }
0x113: {  	[hbm4b:s4+s2] =	stream.indirect_vreg.scatter [tilespmem:s15], [sflag:$0x1], $0x80, v4, vm0, $0xb8;
	[tilespmem:$0x10080] =	vst v63  }
0x114: {  	v3 =	vadd.s32 v1, v3  }
0x115: {  	[hbm4b:s5+s2] =	stream.indirect_vreg.scatter [tilespmem:s10], [sflag:$0x1], $0x80, v4, vm0, $0xb8;
	[tilespmem:$0x10080] =	vst v63  }
0x116: {  	_ = 	snop  }
0x117: {  	[hbm4b:s6+s2] =	stream.indirect_vreg.scatter [tilespmem:s11], [sflag:$0x1], $0x80, v4, vm0, $0xb8;
	[tilespmem:$0x10080] =	vst v63  }
0x118: {  	_ = 	snop  }
0x119: {  	[hbm4b:s3+s2] =	stream.indirect_vreg.scatter [tilespmem:s12], [sflag:$0x1], $0x80, v3, vm0, $0xb8;
	[tilespmem:$0x10080] =	vst v63  }
0x11a: {  	s24 =	simm.s32 $0xA880  }
0x11b: {  	[hbm4b:s4+s2] =	stream.indirect_vreg.scatter [tilespmem:s24], [sflag:$0x1], $0x80, v3, vm0, $0xb8;
	[tilespmem:$0x10080] =	vst v63  }
0x11c: {  	s28 =	simm.s32 $0xB080  }
0x11d: {  	[hbm4b:s5+s2] =	stream.indirect_vreg.scatter [tilespmem:s28], [sflag:$0x1], $0x80, v3, vm0, $0xb8;
	[tilespmem:$0x10080] =	vst v63  }
0x11e: {  	s24 =	simm.s32 $0xB880  }
0x11f: {  	[hbm4b:s6+s2] =	stream.indirect_vreg.scatter [tilespmem:s24], [sflag:$0x1], $0x80, v3, vm0, $0xb8;
	[tilespmem:$0x10080] =	vst v63  }
0x120: {  	v3 =	vld [tilespmem:$0x30];
	_ =	sdelay $0x4  }
0x121: {  	v59 =	vshll.u32 v3, $0x3  }
0x122: {  	v3 =	vand.u32 $0x7, v3;
	v4 =	vand.u32 $0xFFFFFFC0, v59  }
0x123: {  	v3 =	vor.u32 v3, v4  }
0x124: {  	v4 =	vperm.xlane v3, v0;
	_ =	sdelay $0x1  }
0x125: {  	v4 =	vadd.s32 v1, v4;
	_ =	sdelay $0x3  }
0x126: {  	s25 =	simm.s32 $0xC080  }
0x127: {  	[hbm4b:s3+s2] =	stream.indirect_vreg.scatter [tilespmem:s25], [sflag:$0x1], $0x80, v4, vm0, $0xb8;
	[tilespmem:$0x10080] =	vst v63  }
0x128: {  	s28 =	simm.s32 $0xC880;
	v3 =	vperm.xlane v3, v2  }
0x129: {  	[hbm4b:s4+s2] =	stream.indirect_vreg.scatter [tilespmem:s28], [sflag:$0x1], $0x80, v4, vm0, $0xb8;
	[tilespmem:$0x10080] =	vst v63  }
0x12a: {  	s20 =	simm.s32 $0xD080;
	v3 =	vadd.s32 v1, v3  }
0x12b: {  	[hbm4b:s5+s2] =	stream.indirect_vreg.scatter [tilespmem:s20], [sflag:$0x1], $0x80, v4, vm0, $0xb8;
	[tilespmem:$0x10080] =	vst v63  }
0x12c: {  	s22 =	simm.s32 $0xD880  }
0x12d: {  	[hbm4b:s6+s2] =	stream.indirect_vreg.scatter [tilespmem:s22], [sflag:$0x1], $0x80, v4, vm0, $0xb8;
	[tilespmem:$0x10080] =	vst v63  }
0x12e: {  	s29 =	simm.s32 $0xE080  }
0x12f: {  	[hbm4b:s3+s2] =	stream.indirect_vreg.scatter [tilespmem:s29], [sflag:$0x1], $0x80, v3, vm0, $0xb8;
	[tilespmem:$0x10080] =	vst v63  }
0x130: {  	s26 =	simm.s32 $0xE880  }
0x131: {  	[hbm4b:s4+s2] =	stream.indirect_vreg.scatter [tilespmem:s26], [sflag:$0x1], $0x80, v3, vm0, $0xb8;
	[tilespmem:$0x10080] =	vst v63  }
0x132: {  	s30 =	simm.s32 $0xF080  }
0x133: {  	[hbm4b:s5+s2] =	stream.indirect_vreg.scatter [tilespmem:s30], [sflag:$0x1], $0x80, v3, vm0, $0xb8;
	[tilespmem:$0x10080] =	vst v63  }
0x134: {  	s29 =	simm.s32 $0xF880  }
0x135: {  	[hbm4b:s6+s2] =	stream.indirect_vreg.scatter [tilespmem:s29], [sflag:$0x1], $0x80, v3, vm0, $0xb8;
	[tilespmem:$0x10080] =	vst v63  }
0x136: {  	_ =	swait.ge [sflag:s18], $0x10000  }
0x137: {  	[sflag:s18] =	ssyncset.done $0x0  }
0x138: {  	s30 =	rddreg [dreg:$0x9];
	[sflag:s18] =	ssyncadd.s32 $0xFFFF0000  }
0x139: {  	[tilespmem:s2], [sflag:$0x2] =	stream.linear.gather [hbm4b:s30+s2], $0x40, $0x38;
	[tilespmem:$0x10080] =	vst v63  }
0x13a: {  	_ =	swait.ge [sflag:s8], $0x40  }
0x13b: {  	[sflag:s8] =	ssyncset.done $0x0  }
0x13c: {  	s29 =	rddreg [dreg:$0xa];
	[sflag:s8] =	ssyncadd.s32 $0xFFFFFFC0  }
0x13d: {  	[tilespmem:s23], [sflag:$0x2] =	stream.linear.gather [hbm4b:s29+s2], $0x10000, $0x38;
	[tilespmem:$0x10080] =	vst v63  }
0x13e: {  	_ =	swait.ge [sflag:s8], $0x10000  }
0x13f: {  	[sflag:s8] =	ssyncset.done $0x0  }
0x140: {  	[sflag:s8] =	ssyncadd.s32 $0xFFFF0000  }
0x141: {  	v3 =	vld [tilespmem:$0x0];
	_ =	sdelay $0x4  }
0x142: {  	v60 =	vshll.u32 v3, $0x3  }
0x143: {  	v3 =	vand.u32 $0x7, v3;
	v4 =	vand.u32 $0xFFFFFFC0, v60  }
0x144: {  	v3 =	vor.u32 v3, v4  }
0x145: {  	v4 =	vperm.xlane v3, v0;
	_ =	sdelay $0x1  }
0x146: {  	v4 =	vadd.s32 v1, v4;
	_ =	sdelay $0x4  }
0x147: {  	[hbm4b:s3+s2] =	stream.indirect_vreg.scatter [tilespmem:s23], [sflag:$0x1], $0x80, v4, vm0, $0xb8;
	[tilespmem:$0x10080] =	vst v63  }
0x148: {  	s30 =	simm.s32 $0x880;
	v3 =	vperm.xlane v3, v2  }
0x149: {  	[hbm4b:s4+s2] =	stream.indirect_vreg.scatter [tilespmem:s30], [sflag:$0x1], $0x80, v4, vm0, $0xb8;
	[tilespmem:$0x10080] =	vst v63  }
0x14a: {  	s21 =	simm.s32 $0x1080;
	v3 =	vadd.s32 v1, v3  }
0x14b: {  	[hbm4b:s5+s2] =	stream.indirect_vreg.scatter [tilespmem:s21], [sflag:$0x1], $0x80, v4, vm0, $0xb8;
	[tilespmem:$0x10080] =	vst v63  }
0x14c: {  	s21 =	simm.s32 $0x1880  }
0x14d: {  	[hbm4b:s6+s2] =	stream.indirect_vreg.scatter [tilespmem:s21], [sflag:$0x1], $0x80, v4, vm0, $0xb8;
	[tilespmem:$0x10080] =	vst v63  }
0x14e: {  	s29 =	simm.s32 $0x2080  }
0x14f: {  	[hbm4b:s3+s2] =	stream.indirect_vreg.scatter [tilespmem:s29], [sflag:$0x1], $0x80, v3, vm0, $0xb8;
	[tilespmem:$0x10080] =	vst v63  }
0x150: {  	s30 =	simm.s32 $0x2880  }
0x151: {  	[hbm4b:s4+s2] =	stream.indirect_vreg.scatter [tilespmem:s30], [sflag:$0x1], $0x80, v3, vm0, $0xb8;
	[tilespmem:$0x10080] =	vst v63  }
0x152: {  	s21 =	simm.s32 $0x3080  }
0x153: {  	[hbm4b:s5+s2] =	stream.indirect_vreg.scatter [tilespmem:s21], [sflag:$0x1], $0x80, v3, vm0, $0xb8;
	[tilespmem:$0x10080] =	vst v63  }
0x154: {  	s29 =	simm.s32 $0x3880  }
0x155: {  	[hbm4b:s6+s2] =	stream.indirect_vreg.scatter [tilespmem:s29], [sflag:$0x1], $0x80, v3, vm0, $0xb8;
	[tilespmem:$0x10080] =	vst v63  }
0x156: {  	v3 =	vld [tilespmem:$0x10];
	_ =	sdelay $0x4  }
0x157: {  	v61 =	vshll.u32 v3, $0x3  }
0x158: {  	v3 =	vand.u32 $0x7, v3;
	v4 =	vand.u32 $0xFFFFFFC0, v61  }
0x159: {  	v3 =	vor.u32 v3, v4  }
0x15a: {  	v4 =	vperm.xlane v3, v0;
	_ =	sdelay $0x1  }
0x15b: {  	v4 =	vadd.s32 v1, v4;
	_ =	sdelay $0x3  }
0x15c: {  	s16 =	simm.s32 $0x4080  }
0x15d: {  	[hbm4b:s3+s2] =	stream.indirect_vreg.scatter [tilespmem:s16], [sflag:$0x1], $0x80, v4, vm0, $0xb8;
	[tilespmem:$0x10080] =	vst v63  }
0x15e: {  	s30 =	simm.s32 $0x4880;
	v3 =	vperm.xlane v3, v2  }
0x15f: {  	[hbm4b:s4+s2] =	stream.indirect_vreg.scatter [tilespmem:s30], [sflag:$0x1], $0x80, v4, vm0, $0xb8;
	[tilespmem:$0x10080] =	vst v63  }
0x160: {  	s19 =	simm.s32 $0x5080;
	v3 =	vadd.s32 v1, v3  }
0x161: {  	[hbm4b:s5+s2] =	stream.indirect_vreg.scatter [tilespmem:s19], [sflag:$0x1], $0x80, v4, vm0, $0xb8;
	[tilespmem:$0x10080] =	vst v63  }
0x162: {  	s17 =	simm.s32 $0x5880  }
0x163: {  	[hbm4b:s6+s2] =	stream.indirect_vreg.scatter [tilespmem:s17], [sflag:$0x1], $0x80, v4, vm0, $0xb8;
	[tilespmem:$0x10080] =	vst v63  }
0x164: {  	s0 =	simm.s32 $0x6080  }
0x165: {  	[hbm4b:s3+s2] =	stream.indirect_vreg.scatter [tilespmem:s0], [sflag:$0x1], $0x80, v3, vm0, $0xb8;
	[tilespmem:$0x10080] =	vst v63  }
0x166: {  	s1 =	simm.s32 $0x6880  }
0x167: {  	[hbm4b:s4+s2] =	stream.indirect_vreg.scatter [tilespmem:s1], [sflag:$0x1], $0x80, v3, vm0, $0xb8;
	[tilespmem:$0x10080] =	vst v63  }
0x168: {  	s9 =	simm.s32 $0x7080  }
0x169: {  	[hbm4b:s5+s2] =	stream.indirect_vreg.scatter [tilespmem:s9], [sflag:$0x1], $0x80, v3, vm0, $0xb8;
	[tilespmem:$0x10080] =	vst v63  }
0x16a: {  	s13 =	simm.s32 $0x7880  }
0x16b: {  	[hbm4b:s6+s2] =	stream.indirect_vreg.scatter [tilespmem:s13], [sflag:$0x1], $0x80, v3, vm0, $0xb8;
	[tilespmem:$0x10080] =	vst v63  }
0x16c: {  	v3 =	vld [tilespmem:$0x20];
	_ =	sdelay $0x4  }
0x16d: {  	v62 =	vshll.u32 v3, $0x3  }
0x16e: {  	v3 =	vand.u32 $0x7, v3;
	v4 =	vand.u32 $0xFFFFFFC0, v62  }
0x16f: {  	v3 =	vor.u32 v3, v4  }
0x170: {  	v4 =	vperm.xlane v3, v0;
	_ =	sdelay $0x1  }
0x171: {  	v4 =	vadd.s32 v1, v4;
	_ =	sdelay $0x3  }
0x172: {  	s14 =	simm.s32 $0x8080  }
0x173: {  	[hbm4b:s3+s2] =	stream.indirect_vreg.scatter [tilespmem:s14], [sflag:$0x1], $0x80, v4, vm0, $0xb8;
	[tilespmem:$0x10080] =	vst v63  }
0x174: {  	s15 =	simm.s32 $0x8880;
	v3 =	vperm.xlane v3, v2  }
0x175: {  	[hbm4b:s4+s2] =	stream.indirect_vreg.scatter [tilespmem:s15], [sflag:$0x1], $0x80, v4, vm0, $0xb8;
	[tilespmem:$0x10080] =	vst v63  }
0x176: {  	s10 =	simm.s32 $0x9080;
	v3 =	vadd.s32 v1, v3  }
0x177: {  	[hbm4b:s5+s2] =	stream.indirect_vreg.scatter [tilespmem:s10], [sflag:$0x1], $0x80, v4, vm0, $0xb8;
	[tilespmem:$0x10080] =	vst v63  }
0x178: {  	s11 =	simm.s32 $0x9880  }
0x179: {  	[hbm4b:s6+s2] =	stream.indirect_vreg.scatter [tilespmem:s11], [sflag:$0x1], $0x80, v4, vm0, $0xb8;
	[tilespmem:$0x10080] =	vst v63  }
0x17a: {  	s12 =	simm.s32 $0xA080  }
0x17b: {  	[hbm4b:s3+s2] =	stream.indirect_vreg.scatter [tilespmem:s12], [sflag:$0x1], $0x80, v3, vm0, $0xb8;
	[tilespmem:$0x10080] =	vst v63  }
0x17c: {  	s31 =	simm.s32 $0xA880  }
0x17d: {  	[hbm4b:s4+s2] =	stream.indirect_vreg.scatter [tilespmem:s31], [sflag:$0x1], $0x80, v3, vm0, $0xb8;
	[tilespmem:$0x10080] =	vst v63  }
0x17e: {  	s21 =	simm.s32 $0xB080  }
0x17f: {  	[hbm4b:s5+s2] =	stream.indirect_vreg.scatter [tilespmem:s21], [sflag:$0x1], $0x80, v3, vm0, $0xb8;
	[tilespmem:$0x10080] =	vst v63  }
0x180: {  	s29 =	simm.s32 $0xB880  }
0x181: {  	[hbm4b:s6+s2] =	stream.indirect_vreg.scatter [tilespmem:s29], [sflag:$0x1], $0x80, v3, vm0, $0xb8;
	[tilespmem:$0x10080] =	vst v63  }
0x182: {  	v3 =	vld [tilespmem:$0x30];
	_ =	sdelay $0x4  }
0x183: {  	v63 =	vshll.u32 v3, $0x3  }
0x184: {  	v3 =	vand.u32 $0x7, v3;
	v4 =	vand.u32 $0xFFFFFFC0, v63  }
0x185: {  	v3 =	vor.u32 v3, v4  }
0x186: {  	v4 =	vperm.xlane v3, v0;
	_ =	sdelay $0x1  }
0x187: {  	v4 =	vadd.s32 v1, v4;
	_ =	sdelay $0x3  }
0x188: {  	s30 =	simm.s32 $0xC080  }
0x189: {  	[hbm4b:s3+s2] =	stream.indirect_vreg.scatter [tilespmem:s30], [sflag:$0x1], $0x80, v4, vm0, $0xb8;
	[tilespmem:$0x10080] =	vst v63  }
0x18a: {  	s31 =	simm.s32 $0xC880;
	v3 =	vperm.xlane v3, v2  }
0x18b: {  	[hbm4b:s4+s2] =	stream.indirect_vreg.scatter [tilespmem:s31], [sflag:$0x1], $0x80, v4, vm0, $0xb8;
	[tilespmem:$0x10080] =	vst v63  }
0x18c: {  	s28 =	simm.s32 $0xD080;
	v3 =	vadd.s32 v1, v3  }
0x18d: {  	[hbm4b:s5+s2] =	stream.indirect_vreg.scatter [tilespmem:s28], [sflag:$0x1], $0x80, v4, vm0, $0xb8;
	[tilespmem:$0x10080] =	vst v63  }
0x18e: {  	s20 =	simm.s32 $0xD880  }
0x18f: {  	[hbm4b:s6+s2] =	stream.indirect_vreg.scatter [tilespmem:s20], [sflag:$0x1], $0x80, v4, vm0, $0xb8;
	[tilespmem:$0x10080] =	vst v63  }
0x190: {  	s24 =	simm.s32 $0xE080  }
0x191: {  	[hbm4b:s3+s2] =	stream.indirect_vreg.scatter [tilespmem:s24], [sflag:$0x1], $0x80, v3, vm0, $0xb8;
	[tilespmem:$0x10080] =	vst v63  }
0x192: {  	s22 =	simm.s32 $0xE880  }
0x193: {  	[hbm4b:s4+s2] =	stream.indirect_vreg.scatter [tilespmem:s22], [sflag:$0x1], $0x80, v3, vm0, $0xb8;
	[tilespmem:$0x10080] =	vst v63  }
0x194: {  	p0 =	sne.s32 s7, $0x1;
	s25 =	simm.s32 $0xF080  }
0x195: {  	[hbm4b:s5+s2] =	stream.indirect_vreg.scatter [tilespmem:s25], [sflag:$0x1], $0x80, v3, vm0, $0xb8;
	[tilespmem:$0x10080] =	vst v63  }
.Ltmp0:
0x196: {  	s26 =	simm.s32 $0xF880;
	(pc) =	sbr.rel @p0 .LBB2_1-.Ltmp0, $4  }
0x197: {  	[hbm4b:s6+s2] =	stream.indirect_vreg.scatter [tilespmem:s26], [sflag:$0x1], $0x80, v3, vm0, $0xb8;
	[tilespmem:$0x10080] =	vst v63  }
0x198: {  	_ =	swait.ge [sflag:s18], $0x10000  }
0x199: {  	[sflag:s18] =	ssyncset.done $0x0  }
0x19a: {  	s7 =	sadd.s32 $0xFFFFFFFF, s7;
	[sflag:s18] =	ssyncadd.s32 $0xFFFF0000  }
0x19b: {  	_ =	sfence.sel $0x180000  }
0x19c: {  	[bflag:$0x0] =	sbarrier.arrive $0xFFFF  }
0x19d: {  	_ =	strace $0x90000047  }
0x19e: {  	s0 =	stileid.u32;
	[bflag:$0x2] =	sbarrier.arrive $0xFFFF  }
0x19f: {  	p0 =	sne.s32 s0, $0x0;
	s0 =	rddreg [dreg:$0x2]  }
0x1a0: {  	s0 =	sadd.s32 @!p0 $0x100000, s0  }
0x1a1: {  	[sflag:s0] =	ssyncadd.tile.s32 @!p0 $0x1;
	_ =	shalt  }
.Lfunc_end2:
_tile_overlayer_lowered:
.L_overlay_start_2:
0x1a2: {  	(tag) =	ssettag $0x2  }
0x1a3: {  	s0 =	rddreg [dreg:$0x0];
	s2 =	stileid.u32  }
0x1a4: {  	s1 =	rddreg [dreg:$0x1];
	p0 =	sne.s32 s2, $0x0  }
0x1a5: {  	s3 =	rddreg [dreg:$0x2];
	[bflag:$0x3] =	sbarrier.arrive $0xFFFF;
	s2 =	simm.s32 @!p0 $0x1C02  }
0x1a6: {  	[timem:s3], [sflag:s2] =	dma.local @!p0 [hbm:s0], s1  }
0x1a7: {  	s0 =	simm.s32 @!p0 $0x2  }
0x1a8: {  	_ =	swait.ge @!p0 [sflag:s0], s1  }
0x1a9: {  	s1 =	ssub.s32 @!p0 $0x0, s1;
	[sflag:s0] =	ssyncset.done @!p0 $0x0  }
0x1aa: {  	[sflag:s0] =	ssyncadd.s32 @!p0 s1  }
0x1ab: {  	[bflag:$0x3] =	sbarrier.arrive $0xFFFF  }
0x1ac: {  	_ =	shalt  }

</sc_bundles>
